<compile_context>
chip_gen: v7x
topology: tpu7x:2x2x1
jax: 0.10.2.dev20260603
libtpu: 0.0.44.dev20260713+nightly
codegen_flags: <defaults>
</compile_context>

<pallas_src>
import functools

import jax
import jax.numpy as jnp
from jax import lax
from jax.experimental import pallas as pl
from jax.experimental.pallas import tpu as pltpu
from jax.experimental.pallas import tpu_sc as plsc

EMB = 128
BATCH = 16384
HIST = 200
N = BATCH * HIST
NC = 2
NS = 16
NW = NC * NS
PER_W = N // NW
SUB = 2
R = SUB * 128
NB = PER_W // R
CH = 16
IDXROWS = CH * SUB
NCH = NB // CH


def _make_sc_gather():
  mesh = plsc.VectorSubcoreMesh(core_axis_name="c", subcore_axis_name="s")

  @functools.partial(
      pl.kernel,
      mesh=mesh,
      out_type=jax.ShapeDtypeStruct((N, EMB), jnp.float32),
      scratch_types=[
          pltpu.VMEM((2, IDXROWS, 128), jnp.int32),
          pltpu.VMEM((2, R, EMB), jnp.float32),
          pltpu.VMEM_SHARED((122, EMB), jnp.float32),
          pltpu.SemaphoreType.DMA,
          pltpu.SemaphoreType.DMA,
          pltpu.SemaphoreType.DMA,
          pltpu.SemaphoreType.DMA,
          pltpu.SemaphoreType.DMA,
          pltpu.SemaphoreType.DMA,
      ],
  )
  def k(idx_hbm, table_hbm, out_hbm, idx_v, rows_v, table_v,
        gs0, gs1, ws0, ws1, is0, is1):
    wid = lax.axis_index("s") * NC + lax.axis_index("c")
    base = wid * PER_W
    gs = (gs0, gs1)
    ws = (ws0, ws1)
    isem = (is0, is1)

    @pl.when(lax.axis_index("s") == 0)
    def _stage_table():
      pltpu.sync_copy(table_hbm, table_v)

    plsc.subcore_barrier()

    def fire_idx(c, cb):
      row0 = wid * (PER_W // 128) + c * IDXROWS
      pltpu.async_copy(
          idx_hbm.at[pl.ds(row0, IDXROWS)], idx_v.at[cb], isem[cb]
      )

    def wait_idx(cb):
      pltpu.make_async_copy(
          idx_hbm.at[pl.ds(0, IDXROWS)], idx_v.at[cb], isem[cb]
      ).wait()

    def fire_gather(g, b):
      cb = (g // CH) % 2
      p = (g % CH) * SUB
      for s in range(SUB):
        pltpu.async_copy(
            table_v.at[idx_v.at[cb, p + s]],
            rows_v.at[b, pl.ds(s * 128, 128)],
            gs[b],
        )

    def wait_gather(b):
      for s in range(SUB):
        pltpu.make_async_copy(
            table_v.at[idx_v.at[0, s]],
            rows_v.at[b, pl.ds(s * 128, 128)],
            gs[b],
        ).wait()

    def fire_write(g, b):
      off = base + g * R
      pltpu.async_copy(rows_v.at[b], out_hbm.at[pl.ds(off, R)], ws[b])

    def wait_write(b):
      pltpu.make_async_copy(
          rows_v.at[b], out_hbm.at[pl.ds(base, R)], ws[b]
      ).wait()

    fire_idx(0, 0)
    fire_idx(1, 1)
    wait_idx(0)
    fire_gather(0, 0)

    def outer(j, carry):
      for b in (0, 1):
        g = 2 * j + b
        b2 = 1 - b

        @pl.when(g + 1 < NB)
        def _prep():
          for slot in (0, 1):
            @pl.when(((g + 1) % CH == 0) & (((g + 1) // CH) % 2 == slot))
            def _idx_arrived(slot=slot):
              wait_idx(slot)

          @pl.when(g >= 1)
          def _drain():
            wait_write(b2)

          fire_gather(g + 1, b2)

        wait_gather(b)

        for slot in (0, 1):
          @pl.when((g % CH == CH - 1) & (g // CH + 2 < NCH)
                   & ((g // CH) % 2 == slot))
          def _prefetch(slot=slot):
            fire_idx(g // CH + 2, slot)

        fire_write(g, b)
      return carry

    lax.fori_loop(0, NB // 2, outer, 0)
    wait_write(0)
    wait_write(1)

  return k


_sc_gather = _make_sc_gather()


def kernel(inputs, embeddings):
  idx = inputs.reshape(N // 128, 128).astype(jnp.int32)
  out = _sc_gather(idx, embeddings)
  return out.reshape(BATCH, HIST, EMB)

# --- scband reference (transcript-rebuilt; emitter-appended) ---
"""Pipeline reference for scband-embedding-block-5016521802054 (READ-ONLY COPY).

The authoritative reference and input builder live on the scoring server;
editing this copy changes nothing except your own understanding.
"""

import jax, jax.numpy as jnp
import numpy as np

EMB_SIZE = 128
VOCAB = 122
BATCH = 16384
HIST = 200

def setup_inputs(seed: int = 0) -> dict:
    key = jax.random.key(seed)
    k_idx, k_emb = jax.random.split(key)
    inputs = jax.random.randint(k_idx, (BATCH, HIST), 0, VOCAB, dtype=jnp.int64 if jax.config.jax_enable_x64 else jnp.int32)
    s = np.sqrt(3.0)
    embeddings = jax.random.uniform(k_emb, (VOCAB, EMB_SIZE), dtype=jnp.float32, minval=-s, maxval=s)
    return {"inputs": inputs, "embeddings": embeddings}

def reference(inputs, embeddings):
    # Faithful translation of EmbeddingBlock.call: h = tf.gather(embeddings, bf_idx)
    h = jnp.take(embeddings, inputs, axis=0)
    return h

if __name__ == "__main__":
    import jax
    _d = setup_inputs()
    print(jax.jit(kernel)(*tuple(_d.values())))

</pallas_src>

<mosaic_0001>
#map = affine_map<(d0, d1) -> (0, 0)>
module attributes {stable_mosaic.version = 14 : i64} {
  func.func @k(%arg0: i32, %arg1: i32, %arg2: memref<25600x128xi32, #tpu.memory_space<hbm>>, %arg3: memref<122x128xf32, #tpu.memory_space<hbm>>, %arg4: memref<3276800x128xf32, #tpu.memory_space<hbm>>, %arg5: memref<2x32x128xi32, #tpu.memory_space<vmem>>, %arg6: memref<2x256x128xf32, #tpu.memory_space<vmem>>, %arg7: memref<122x128xf32, #tpu.memory_space<vmem_shared>>, %arg8: memref<!tpu.dma_semaphore, #tpu.memory_space<semaphore_mem>>, %arg9: memref<!tpu.dma_semaphore, #tpu.memory_space<semaphore_mem>>, %arg10: memref<!tpu.dma_semaphore, #tpu.memory_space<semaphore_mem>>, %arg11: memref<!tpu.dma_semaphore, #tpu.memory_space<semaphore_mem>>, %arg12: memref<!tpu.dma_semaphore, #tpu.memory_space<semaphore_mem>>, %arg13: memref<!tpu.dma_semaphore, #tpu.memory_space<semaphore_mem>>) attributes {dimension_semantics = [#tpu.dimension_semantics<core_parallel>, #tpu.dimension_semantics<subcore_parallel>], iteration_bounds = array<i64: 2, 16>, scalar_prefetch = 0 : i64, scratch_operands = 9 : i64, tpu.core_type = #tpu.core_type<sc_vector_subcore>, window_params = [{transform_indices = #map}, {transform_indices = #map}, {transform_indices = #map}]} {
    %mul3A = arith.constant 2 : i32
    %mul3A_0 = arith.muli %arg1, %mul3A : i32
    %add3A = arith.addi %mul3A_0, %arg0 : i32
    %mul3A_1 = arith.constant 102400 : i32
    %mul3A_2 = arith.muli %add3A, %mul3A_1 : i32
    %eq3A = arith.constant 0 : i32
    %eq3A_3 = arith.cmpi eq, %arg1, %eq3A : i32
    %convert_element_type3A = arith.extui %eq3A_3 : i1 to i32
    %cond3A = arith.constant 0 : i32
    %cond3A_4 = arith.cmpi ne, %convert_element_type3A, %cond3A : i32
    scf.if %cond3A_4 {
      "tpu.region"() ({
        %run_scoped3A = tpu.sem_alloc : memref<!tpu.dma_semaphore, #tpu.memory_space<semaphore_mem>>
        tpu.enqueue_dma source(%arg3 : memref<122x128xf32, #tpu.memory_space<hbm>>) target(%arg7 : memref<122x128xf32, #tpu.memory_space<vmem_shared>>) target_semaphore(%run_scoped3A : memref<!tpu.dma_semaphore, #tpu.memory_space<semaphore_mem>>)
        tpu.wait_dma2 semaphore(%run_scoped3A : memref<!tpu.dma_semaphore, #tpu.memory_space<semaphore_mem>>) src(%arg3 : memref<122x128xf32, #tpu.memory_space<hbm>>) dst(%arg7 : memref<122x128xf32, #tpu.memory_space<vmem_shared>>)
        tpu.yield
      }) : () -> ()
    } else {
    }
    %barrier3A = arith.constant 0 : index
    tpu.barrier barrier_id(%barrier3A)
    %mul3A_5 = arith.constant 800 : i32
    %mul3A_6 = arith.muli %add3A, %mul3A_5 : i32
    %add3A_7 = arith.constant 0 : i32
    %add3A_8 = arith.addi %mul3A_6, %add3A_7 : i32
    %dma_start3A = arith.constant 0 : i32
    %dma_start3A_9 = arith.constant 0 : i32
    %dma_start3A_10 = arith.constant 0 : i32
    %dma_start3A_11 = tpu.memref_slice %arg5[%dma_start3A, %dma_start3A_9, %dma_start3A_10] : memref<2x32x128xi32, #tpu.memory_space<vmem>> -> memref<1x32x128xi32, #tpu.memory_space<vmem>>
    %dma_start3A_12 = tpu.memref_squeeze %dma_start3A_11 : memref<1x32x128xi32, #tpu.memory_space<vmem>> -> memref<32x128xi32, #tpu.memory_space<vmem>>
    %dma_start3A_13 = arith.constant 0 : i32
    %dma_start3A_14 = tpu.memref_slice %arg2[%add3A_8, %dma_start3A_13] : memref<25600x128xi32, #tpu.memory_space<hbm>> -> memref<32x128xi32, #tpu.memory_space<hbm>>
    %dma_start3A_15 = arith.constant 0 : i32
    %dma_start3A_16 = arith.constant 0 : i32
    %dma_start3A_17 = tpu.memref_slice %arg5[%dma_start3A, %dma_start3A_15, %dma_start3A_16] : memref<2x32x128xi32, #tpu.memory_space<vmem>> -> memref<1x32x128xi32, #tpu.memory_space<vmem>>
    %dma_start3A_18 = tpu.memref_squeeze %dma_start3A_17 : memref<1x32x128xi32, #tpu.memory_space<vmem>> -> memref<32x128xi32, #tpu.memory_space<vmem>>
    %dma_start3A_19 = arith.constant 0 : i32
    %dma_start3A_20 = tpu.memref_slice %arg2[%add3A_8, %dma_start3A_19] : memref<25600x128xi32, #tpu.memory_space<hbm>> -> memref<32x128xi32, #tpu.memory_space<hbm>>
    tpu.enqueue_dma source(%dma_start3A_20 : memref<32x128xi32, #tpu.memory_space<hbm>>) target(%dma_start3A_18 : memref<32x128xi32, #tpu.memory_space<vmem>>) target_semaphore(%arg12 : memref<!tpu.dma_semaphore, #tpu.memory_space<semaphore_mem>>)
    %mul3A_21 = arith.constant 800 : i32
    %mul3A_22 = arith.muli %add3A, %mul3A_21 : i32
    %add3A_23 = arith.constant 32 : i32
    %add3A_24 = arith.addi %mul3A_22, %add3A_23 : i32
    %dma_start3A_25 = arith.constant 1 : i32
    %dma_start3A_26 = arith.constant 0 : i32
    %dma_start3A_27 = arith.constant 0 : i32
    %dma_start3A_28 = tpu.memref_slice %arg5[%dma_start3A_25, %dma_start3A_26, %dma_start3A_27] : memref<2x32x128xi32, #tpu.memory_space<vmem>> -> memref<1x32x128xi32, #tpu.memory_space<vmem>>
    %dma_start3A_29 = tpu.memref_squeeze %dma_start3A_28 : memref<1x32x128xi32, #tpu.memory_space<vmem>> -> memref<32x128xi32, #tpu.memory_space<vmem>>
    %dma_start3A_30 = arith.constant 0 : i32
    %dma_start3A_31 = tpu.memref_slice %arg2[%add3A_24, %dma_start3A_30] : memref<25600x128xi32, #tpu.memory_space<hbm>> -> memref<32x128xi32, #tpu.memory_space<hbm>>
    %dma_start3A_32 = arith.constant 0 : i32
    %dma_start3A_33 = arith.constant 0 : i32
    %dma_start3A_34 = tpu.memref_slice %arg5[%dma_start3A_25, %dma_start3A_32, %dma_start3A_33] : memref<2x32x128xi32, #tpu.memory_space<vmem>> -> memref<1x32x128xi32, #tpu.memory_space<vmem>>
    %dma_start3A_35 = tpu.memref_squeeze %dma_start3A_34 : memref<1x32x128xi32, #tpu.memory_space<vmem>> -> memref<32x128xi32, #tpu.memory_space<vmem>>
    %dma_start3A_36 = arith.constant 0 : i32
    %dma_start3A_37 = tpu.memref_slice %arg2[%add3A_24, %dma_start3A_36] : memref<25600x128xi32, #tpu.memory_space<hbm>> -> memref<32x128xi32, #tpu.memory_space<hbm>>
    tpu.enqueue_dma source(%dma_start3A_37 : memref<32x128xi32, #tpu.memory_space<hbm>>) target(%dma_start3A_35 : memref<32x128xi32, #tpu.memory_space<vmem>>) target_semaphore(%arg13 : memref<!tpu.dma_semaphore, #tpu.memory_space<semaphore_mem>>)
    %dma_wait3A = arith.constant 0 : i32
    %dma_wait3A_38 = arith.constant 0 : i32
    %dma_wait3A_39 = arith.constant 0 : i32
    %dma_wait3A_40 = tpu.memref_slice %arg5[%dma_wait3A, %dma_wait3A_38, %dma_wait3A_39] : memref<2x32x128xi32, #tpu.memory_space<vmem>> -> memref<1x32x128xi32, #tpu.memory_space<vmem>>
    %dma_wait3A_41 = tpu.memref_squeeze %dma_wait3A_40 : memref<1x32x128xi32, #tpu.memory_space<vmem>> -> memref<32x128xi32, #tpu.memory_space<vmem>>
    %dma_wait3A_42 = arith.constant 0 : i32
    %dma_wait3A_43 = arith.constant 0 : i32
    %dma_wait3A_44 = tpu.memref_slice %arg2[%dma_wait3A_42, %dma_wait3A_43] : memref<25600x128xi32, #tpu.memory_space<hbm>> -> memref<32x128xi32, #tpu.memory_space<hbm>>
    %dma_wait3A_45 = arith.constant 0 : i32
    %dma_wait3A_46 = arith.constant 0 : i32
    %dma_wait3A_47 = tpu.memref_slice %arg5[%dma_wait3A, %dma_wait3A_45, %dma_wait3A_46] : memref<2x32x128xi32, #tpu.memory_space<vmem>> -> memref<1x32x128xi32, #tpu.memory_space<vmem>>
    %dma_wait3A_48 = tpu.memref_squeeze %dma_wait3A_47 : memref<1x32x128xi32, #tpu.memory_space<vmem>> -> memref<32x128xi32, #tpu.memory_space<vmem>>
    %dma_wait3A_49 = arith.constant 0 : i32
    %dma_wait3A_50 = arith.constant 0 : i32
    %dma_wait3A_51 = tpu.memref_slice %arg2[%dma_wait3A_49, %dma_wait3A_50] : memref<25600x128xi32, #tpu.memory_space<hbm>> -> memref<32x128xi32, #tpu.memory_space<hbm>>
    tpu.wait_dma2 semaphore(%arg12 : memref<!tpu.dma_semaphore, #tpu.memory_space<semaphore_mem>>) src(%dma_wait3A_51 : memref<32x128xi32, #tpu.memory_space<hbm>>) dst(%dma_wait3A_48 : memref<32x128xi32, #tpu.memory_space<vmem>>)
    %dma_start3A_52 = arith.constant 0 : i32
    %dma_start3A_53 = arith.constant 0 : i32
    %dma_start3A_54 = arith.constant 0 : i32
    %dma_start3A_55 = arith.constant 0 : i32
    %dma_start3A_56 = arith.constant 0 : i32
    %dma_start3A_57 = tpu.memref_slice %arg6[%dma_start3A_54, %dma_start3A_55, %dma_start3A_56] : memref<2x256x128xf32, #tpu.memory_space<vmem>> -> memref<1x128x128xf32, #tpu.memory_space<vmem>>
    %dma_start3A_58 = tpu.memref_squeeze %dma_start3A_57 : memref<1x128x128xf32, #tpu.memory_space<vmem>> -> memref<128x128xf32, #tpu.memory_space<vmem>>
    %dma_start3A_59 = arith.constant 0 : i32
    %dma_start3A_60 = tpu.memref_slice %arg5[%dma_start3A_52, %dma_start3A_53, %dma_start3A_59] : memref<2x32x128xi32, #tpu.memory_space<vmem>> -> memref<1x1x128xi32, #tpu.memory_space<vmem>>
    %dma_start3A_61 = tpu.memref_squeeze %dma_start3A_60 : memref<1x1x128xi32, #tpu.memory_space<vmem>> -> memref<128xi32, #tpu.memory_space<vmem>>
    %dma_start3A_62 = arith.constant 0 : i32
    %dma_start3A_63 = arith.constant 0 : i32
    %dma_start3A_64 = tpu.memref_slice %arg7[%dma_start3A_62, %dma_start3A_63] : memref<122x128xf32, #tpu.memory_space<vmem_shared>> -> memref<122x128xf32, #tpu.memory_space<vmem_shared>>
    tpu.enqueue_indirect_dma source(%dma_start3A_64 : memref<122x128xf32, #tpu.memory_space<vmem_shared>>) target(%dma_start3A_58 : memref<128x128xf32, #tpu.memory_space<vmem>>) offsets(%dma_start3A_61 : memref<128xi32, #tpu.memory_space<vmem>>) semaphore(%arg8 : memref<!tpu.dma_semaphore, #tpu.memory_space<semaphore_mem>>)
    %dma_start3A_65 = arith.constant 0 : i32
    %dma_start3A_66 = arith.constant 1 : i32
    %dma_start3A_67 = arith.constant 0 : i32
    %dma_start3A_68 = arith.constant 128 : i32
    %dma_start3A_69 = arith.constant 0 : i32
    %dma_start3A_70 = tpu.memref_slice %arg6[%dma_start3A_67, %dma_start3A_68, %dma_start3A_69] : memref<2x256x128xf32, #tpu.memory_space<vmem>> -> memref<1x128x128xf32, #tpu.memory_space<vmem>>
    %dma_start3A_71 = tpu.memref_squeeze %dma_start3A_70 : memref<1x128x128xf32, #tpu.memory_space<vmem>> -> memref<128x128xf32, #tpu.memory_space<vmem>>
    %dma_start3A_72 = arith.constant 0 : i32
    %dma_start3A_73 = tpu.memref_slice %arg5[%dma_start3A_65, %dma_start3A_66, %dma_start3A_72] : memref<2x32x128xi32, #tpu.memory_space<vmem>> -> memref<1x1x128xi32, #tpu.memory_space<vmem>>
    %dma_start3A_74 = tpu.memref_squeeze %dma_start3A_73 : memref<1x1x128xi32, #tpu.memory_space<vmem>> -> memref<128xi32, #tpu.memory_space<vmem>>
    %dma_start3A_75 = arith.constant 0 : i32
    %dma_start3A_76 = arith.constant 0 : i32
    %dma_start3A_77 = tpu.memref_slice %arg7[%dma_start3A_75, %dma_start3A_76] : memref<122x128xf32, #tpu.memory_space<vmem_shared>> -> memref<122x128xf32, #tpu.memory_space<vmem_shared>>
    tpu.enqueue_indirect_dma source(%dma_start3A_77 : memref<122x128xf32, #tpu.memory_space<vmem_shared>>) target(%dma_start3A_71 : memref<128x128xf32, #tpu.memory_space<vmem>>) offsets(%dma_start3A_74 : memref<128xi32, #tpu.memory_space<vmem>>) semaphore(%arg8 : memref<!tpu.dma_semaphore, #tpu.memory_space<semaphore_mem>>)
    %scan3A = arith.constant 0 : i32
    %scan3A_78 = arith.constant 0 : i32
    %scan3A_79 = arith.constant 200 : i32
    %scan3A_80 = arith.addi %scan3A_78, %scan3A_79 : i32
    %scan3A_81 = arith.constant 1 : i32
    scf.for %scan3A_109 = %scan3A_78 to %scan3A_80 step %scan3A_81  : i32 {
      %mul3A_110 = arith.constant 2 : i32
      %mul3A_111 = arith.muli %mul3A_110, %scan3A_109 : i32
      %add3A_112 = arith.constant 0 : i32
      %add3A_113 = arith.addi %mul3A_111, %add3A_112 : i32
      %add3A_114 = arith.constant 1 : i32
      %add3A_115 = arith.addi %add3A_113, %add3A_114 : i32
      %lt3A = arith.constant 400 : i32
      %lt3A_116 = arith.cmpi slt, %add3A_115, %lt3A : i32
      %convert_element_type3A_117 = arith.extui %lt3A_116 : i1 to i32
      %cond3A_118 = arith.constant 0 : i32
      %cond3A_119 = arith.cmpi ne, %convert_element_type3A_117, %cond3A_118 : i32
      scf.if %cond3A_119 {
        %add3A_579 = arith.constant 1 : i32
        %add3A_580 = arith.addi %add3A_113, %add3A_579 : i32
        %jit3A_581 = arith.constant 16 : i32
        %eq3A_582 = arith.constant 0 : i32
        %eq3A_583 = arith.cmpi eq, %jit3A_581, %eq3A_582 : i32
        %jit3A_584 = arith.constant 1 : i32
        %select_n3A_585 = arith.select %eq3A_583, %jit3A_584, %jit3A_581 : i32
        %rem3A_586 = arith.remsi %add3A_580, %select_n3A_585 : i32
        %ne3A_587 = arith.constant 0 : i32
        %ne3A_588 = arith.cmpi ne, %rem3A_586, %ne3A_587 : i32
        %lt3A_589 = arith.constant 0 : i32
        %lt3A_590 = arith.cmpi slt, %rem3A_586, %lt3A_589 : i32
        %lt3A_591 = arith.constant 0 : i32
        %lt3A_592 = arith.cmpi slt, %select_n3A_585, %lt3A_591 : i32
        %ne3A_593 = arith.xori %lt3A_590, %lt3A_592 : i1
        %and3A_594 = arith.andi %ne3A_593, %ne3A_588 : i1
        %add3A_595 = arith.addi %rem3A_586, %select_n3A_585 : i32
        %select_n3A_596 = arith.select %and3A_594, %add3A_595, %rem3A_586 : i32
        %eq3A_597 = arith.constant 0 : i32
        %eq3A_598 = arith.cmpi eq, %select_n3A_596, %eq3A_597 : i32
        %add3A_599 = arith.constant 1 : i32
        %add3A_600 = arith.addi %add3A_113, %add3A_599 : i32
        %jit3A_601 = arith.constant 16 : i32
        %div3A_602 = arith.divsi %add3A_600, %jit3A_601 : i32
        %sign3A_603 = arith.constant 0 : i32
        %sign3A_604 = arith.cmpi sgt, %add3A_600, %sign3A_603 : i32
        %sign3A_605 = arith.extui %sign3A_604 : i1 to i32
        %sign3A_606 = arith.constant 0 : i32
        %sign3A_607 = arith.cmpi slt, %add3A_600, %sign3A_606 : i32
        %sign3A_608 = arith.extui %sign3A_607 : i1 to i32
        %sign3A_609 = arith.subi %sign3A_605, %sign3A_608 : i32
        %sign3A_610 = arith.constant 0 : i32
        %sign3A_611 = arith.cmpi sgt, %jit3A_601, %sign3A_610 : i32
        %sign3A_612 = arith.extui %sign3A_611 : i1 to i32
        %sign3A_613 = arith.constant 0 : i32
        %sign3A_614 = arith.cmpi slt, %jit3A_601, %sign3A_613 : i32
        %sign3A_615 = arith.extui %sign3A_614 : i1 to i32
        %sign3A_616 = arith.subi %sign3A_612, %sign3A_615 : i32
        %ne3A_617 = arith.cmpi ne, %sign3A_609, %sign3A_616 : i32
        %rem3A_618 = arith.remsi %add3A_600, %jit3A_601 : i32
        %ne3A_619 = arith.constant 0 : i32
        %ne3A_620 = arith.cmpi ne, %rem3A_618, %ne3A_619 : i32
        %and3A_621 = arith.andi %ne3A_617, %ne3A_620 : i1
        %sub3A_622 = arith.constant 1 : i32
        %sub3A_623 = arith.subi %div3A_602, %sub3A_622 : i32
        %select_n3A_624 = arith.select %and3A_621, %sub3A_623, %div3A_602 : i32
        %jit3A_625 = arith.constant 2 : i32
        %eq3A_626 = arith.constant 0 : i32
        %eq3A_627 = arith.cmpi eq, %jit3A_625, %eq3A_626 : i32
        %jit3A_628 = arith.constant 1 : i32
        %select_n3A_629 = arith.select %eq3A_627, %jit3A_628, %jit3A_625 : i32
        %rem3A_630 = arith.remsi %select_n3A_624, %select_n3A_629 : i32
        %ne3A_631 = arith.constant 0 : i32
        %ne3A_632 = arith.cmpi ne, %rem3A_630, %ne3A_631 : i32
        %lt3A_633 = arith.constant 0 : i32
        %lt3A_634 = arith.cmpi slt, %rem3A_630, %lt3A_633 : i32
        %lt3A_635 = arith.constant 0 : i32
        %lt3A_636 = arith.cmpi slt, %select_n3A_629, %lt3A_635 : i32
        %ne3A_637 = arith.xori %lt3A_634, %lt3A_636 : i1
        %and3A_638 = arith.andi %ne3A_637, %ne3A_632 : i1
        %add3A_639 = arith.addi %rem3A_630, %select_n3A_629 : i32
        %select_n3A_640 = arith.select %and3A_638, %add3A_639, %rem3A_630 : i32
        %eq3A_641 = arith.constant 0 : i32
        %eq3A_642 = arith.cmpi eq, %select_n3A_640, %eq3A_641 : i32
        %and3A_643 = arith.andi %eq3A_598, %eq3A_642 : i1
        %convert_element_type3A_644 = arith.extui %and3A_643 : i1 to i32
        %cond3A_645 = arith.constant 0 : i32
        %cond3A_646 = arith.cmpi ne, %convert_element_type3A_644, %cond3A_645 : i32
        scf.if %cond3A_646 {
          %dma_wait3A_805 = arith.constant 0 : i32
          %dma_wait3A_806 = arith.constant 0 : i32
          %dma_wait3A_807 = arith.constant 0 : i32
          %dma_wait3A_808 = tpu.memref_slice %arg5[%dma_wait3A_805, %dma_wait3A_806, %dma_wait3A_807] : memref<2x32x128xi32, #tpu.memory_space<vmem>> -> memref<1x32x128xi32, #tpu.memory_space<vmem>>
          %dma_wait3A_809 = tpu.memref_squeeze %dma_wait3A_808 : memref<1x32x128xi32, #tpu.memory_space<vmem>> -> memref<32x128xi32, #tpu.memory_space<vmem>>
          %dma_wait3A_810 = arith.constant 0 : i32
          %dma_wait3A_811 = arith.constant 0 : i32
          %dma_wait3A_812 = tpu.memref_slice %arg2[%dma_wait3A_810, %dma_wait3A_811] : memref<25600x128xi32, #tpu.memory_space<hbm>> -> memref<32x128xi32, #tpu.memory_space<hbm>>
          %dma_wait3A_813 = arith.constant 0 : i32
          %dma_wait3A_814 = arith.constant 0 : i32
          %dma_wait3A_815 = tpu.memref_slice %arg5[%dma_wait3A_805, %dma_wait3A_813, %dma_wait3A_814] : memref<2x32x128xi32, #tpu.memory_space<vmem>> -> memref<1x32x128xi32, #tpu.memory_space<vmem>>
          %dma_wait3A_816 = tpu.memref_squeeze %dma_wait3A_815 : memref<1x32x128xi32, #tpu.memory_space<vmem>> -> memref<32x128xi32, #tpu.memory_space<vmem>>
          %dma_wait3A_817 = arith.constant 0 : i32
          %dma_wait3A_818 = arith.constant 0 : i32
          %dma_wait3A_819 = tpu.memref_slice %arg2[%dma_wait3A_817, %dma_wait3A_818] : memref<25600x128xi32, #tpu.memory_space<hbm>> -> memref<32x128xi32, #tpu.memory_space<hbm>>
          tpu.wait_dma2 semaphore(%arg12 : memref<!tpu.dma_semaphore, #tpu.memory_space<semaphore_mem>>) src(%dma_wait3A_819 : memref<32x128xi32, #tpu.memory_space<hbm>>) dst(%dma_wait3A_816 : memref<32x128xi32, #tpu.memory_space<vmem>>)
        } else {
        }
        %add3A_647 = arith.constant 1 : i32
        %add3A_648 = arith.addi %add3A_113, %add3A_647 : i32
        %jit3A_649 = arith.constant 16 : i32
        %eq3A_650 = arith.constant 0 : i32
        %eq3A_651 = arith.cmpi eq, %jit3A_649, %eq3A_650 : i32
        %jit3A_652 = arith.constant 1 : i32
        %select_n3A_653 = arith.select %eq3A_651, %jit3A_652, %jit3A_649 : i32
        %rem3A_654 = arith.remsi %add3A_648, %select_n3A_653 : i32
        %ne3A_655 = arith.constant 0 : i32
        %ne3A_656 = arith.cmpi ne, %rem3A_654, %ne3A_655 : i32
        %lt3A_657 = arith.constant 0 : i32
        %lt3A_658 = arith.cmpi slt, %rem3A_654, %lt3A_657 : i32
        %lt3A_659 = arith.constant 0 : i32
        %lt3A_660 = arith.cmpi slt, %select_n3A_653, %lt3A_659 : i32
        %ne3A_661 = arith.xori %lt3A_658, %lt3A_660 : i1
        %and3A_662 = arith.andi %ne3A_661, %ne3A_656 : i1
        %add3A_663 = arith.addi %rem3A_654, %select_n3A_653 : i32
        %select_n3A_664 = arith.select %and3A_662, %add3A_663, %rem3A_654 : i32
        %eq3A_665 = arith.constant 0 : i32
        %eq3A_666 = arith.cmpi eq, %select_n3A_664, %eq3A_665 : i32
        %add3A_667 = arith.constant 1 : i32
        %add3A_668 = arith.addi %add3A_113, %add3A_667 : i32
        %jit3A_669 = arith.constant 16 : i32
        %div3A_670 = arith.divsi %add3A_668, %jit3A_669 : i32
        %sign3A_671 = arith.constant 0 : i32
        %sign3A_672 = arith.cmpi sgt, %add3A_668, %sign3A_671 : i32
        %sign3A_673 = arith.extui %sign3A_672 : i1 to i32
        %sign3A_674 = arith.constant 0 : i32
        %sign3A_675 = arith.cmpi slt, %add3A_668, %sign3A_674 : i32
        %sign3A_676 = arith.extui %sign3A_675 : i1 to i32
        %sign3A_677 = arith.subi %sign3A_673, %sign3A_676 : i32
        %sign3A_678 = arith.constant 0 : i32
        %sign3A_679 = arith.cmpi sgt, %jit3A_669, %sign3A_678 : i32
        %sign3A_680 = arith.extui %sign3A_679 : i1 to i32
        %sign3A_681 = arith.constant 0 : i32
        %sign3A_682 = arith.cmpi slt, %jit3A_669, %sign3A_681 : i32
        %sign3A_683 = arith.extui %sign3A_682 : i1 to i32
        %sign3A_684 = arith.subi %sign3A_680, %sign3A_683 : i32
        %ne3A_685 = arith.cmpi ne, %sign3A_677, %sign3A_684 : i32
        %rem3A_686 = arith.remsi %add3A_668, %jit3A_669 : i32
        %ne3A_687 = arith.constant 0 : i32
        %ne3A_688 = arith.cmpi ne, %rem3A_686, %ne3A_687 : i32
        %and3A_689 = arith.andi %ne3A_685, %ne3A_688 : i1
        %sub3A_690 = arith.constant 1 : i32
        %sub3A_691 = arith.subi %div3A_670, %sub3A_690 : i32
        %select_n3A_692 = arith.select %and3A_689, %sub3A_691, %div3A_670 : i32
        %jit3A_693 = arith.constant 2 : i32
        %eq3A_694 = arith.constant 0 : i32
        %eq3A_695 = arith.cmpi eq, %jit3A_693, %eq3A_694 : i32
        %jit3A_696 = arith.constant 1 : i32
        %select_n3A_697 = arith.select %eq3A_695, %jit3A_696, %jit3A_693 : i32
        %rem3A_698 = arith.remsi %select_n3A_692, %select_n3A_697 : i32
        %ne3A_699 = arith.constant 0 : i32
        %ne3A_700 = arith.cmpi ne, %rem3A_698, %ne3A_699 : i32
        %lt3A_701 = arith.constant 0 : i32
        %lt3A_702 = arith.cmpi slt, %rem3A_698, %lt3A_701 : i32
        %lt3A_703 = arith.constant 0 : i32
        %lt3A_704 = arith.cmpi slt, %select_n3A_697, %lt3A_703 : i32
        %ne3A_705 = arith.xori %lt3A_702, %lt3A_704 : i1
        %and3A_706 = arith.andi %ne3A_705, %ne3A_700 : i1
        %add3A_707 = arith.addi %rem3A_698, %select_n3A_697 : i32
        %select_n3A_708 = arith.select %and3A_706, %add3A_707, %rem3A_698 : i32
        %eq3A_709 = arith.constant 1 : i32
        %eq3A_710 = arith.cmpi eq, %select_n3A_708, %eq3A_709 : i32
        %and3A_711 = arith.andi %eq3A_666, %eq3A_710 : i1
        %convert_element_type3A_712 = arith.extui %and3A_711 : i1 to i32
        %cond3A_713 = arith.constant 0 : i32
        %cond3A_714 = arith.cmpi ne, %convert_element_type3A_712, %cond3A_713 : i32
        scf.if %cond3A_714 {
          %dma_wait3A_805 = arith.constant 1 : i32
          %dma_wait3A_806 = arith.constant 0 : i32
          %dma_wait3A_807 = arith.constant 0 : i32
          %dma_wait3A_808 = tpu.memref_slice %arg5[%dma_wait3A_805, %dma_wait3A_806, %dma_wait3A_807] : memref<2x32x128xi32, #tpu.memory_space<vmem>> -> memref<1x32x128xi32, #tpu.memory_space<vmem>>
          %dma_wait3A_809 = tpu.memref_squeeze %dma_wait3A_808 : memref<1x32x128xi32, #tpu.memory_space<vmem>> -> memref<32x128xi32, #tpu.memory_space<vmem>>
          %dma_wait3A_810 = arith.constant 0 : i32
          %dma_wait3A_811 = arith.constant 0 : i32
          %dma_wait3A_812 = tpu.memref_slice %arg2[%dma_wait3A_810, %dma_wait3A_811] : memref<25600x128xi32, #tpu.memory_space<hbm>> -> memref<32x128xi32, #tpu.memory_space<hbm>>
          %dma_wait3A_813 = arith.constant 0 : i32
          %dma_wait3A_814 = arith.constant 0 : i32
          %dma_wait3A_815 = tpu.memref_slice %arg5[%dma_wait3A_805, %dma_wait3A_813, %dma_wait3A_814] : memref<2x32x128xi32, #tpu.memory_space<vmem>> -> memref<1x32x128xi32, #tpu.memory_space<vmem>>
          %dma_wait3A_816 = tpu.memref_squeeze %dma_wait3A_815 : memref<1x32x128xi32, #tpu.memory_space<vmem>> -> memref<32x128xi32, #tpu.memory_space<vmem>>
          %dma_wait3A_817 = arith.constant 0 : i32
          %dma_wait3A_818 = arith.constant 0 : i32
          %dma_wait3A_819 = tpu.memref_slice %arg2[%dma_wait3A_817, %dma_wait3A_818] : memref<25600x128xi32, #tpu.memory_space<hbm>> -> memref<32x128xi32, #tpu.memory_space<hbm>>
          tpu.wait_dma2 semaphore(%arg13 : memref<!tpu.dma_semaphore, #tpu.memory_space<semaphore_mem>>) src(%dma_wait3A_819 : memref<32x128xi32, #tpu.memory_space<hbm>>) dst(%dma_wait3A_816 : memref<32x128xi32, #tpu.memory_space<vmem>>)
        } else {
        }
        %ge3A = arith.constant 1 : i32
        %ge3A_715 = arith.cmpi sge, %add3A_113, %ge3A : i32
        %convert_element_type3A_716 = arith.extui %ge3A_715 : i1 to i32
        %cond3A_717 = arith.constant 0 : i32
        %cond3A_718 = arith.cmpi ne, %convert_element_type3A_716, %cond3A_717 : i32
        scf.if %cond3A_718 {
          %dma_wait3A_805 = arith.constant 1 : i32
          %dma_wait3A_806 = arith.constant 0 : i32
          %dma_wait3A_807 = arith.constant 0 : i32
          %dma_wait3A_808 = tpu.memref_slice %arg6[%dma_wait3A_805, %dma_wait3A_806, %dma_wait3A_807] : memref<2x256x128xf32, #tpu.memory_space<vmem>> -> memref<1x256x128xf32, #tpu.memory_space<vmem>>
          %dma_wait3A_809 = tpu.memref_squeeze %dma_wait3A_808 : memref<1x256x128xf32, #tpu.memory_space<vmem>> -> memref<256x128xf32, #tpu.memory_space<vmem>>
          %dma_wait3A_810 = arith.constant 0 : i32
          %dma_wait3A_811 = tpu.memref_slice %arg4[%mul3A_2, %dma_wait3A_810] : memref<3276800x128xf32, #tpu.memory_space<hbm>> -> memref<256x128xf32, #tpu.memory_space<hbm>>
          %dma_wait3A_812 = arith.constant 0 : i32
          %dma_wait3A_813 = tpu.memref_slice %arg4[%mul3A_2, %dma_wait3A_812] : memref<3276800x128xf32, #tpu.memory_space<hbm>> -> memref<256x128xf32, #tpu.memory_space<hbm>>
          %dma_wait3A_814 = arith.constant 0 : i32
          %dma_wait3A_815 = arith.constant 0 : i32
          %dma_wait3A_816 = tpu.memref_slice %arg6[%dma_wait3A_805, %dma_wait3A_814, %dma_wait3A_815] : memref<2x256x128xf32, #tpu.memory_space<vmem>> -> memref<1x256x128xf32, #tpu.memory_space<vmem>>
          %dma_wait3A_817 = tpu.memref_squeeze %dma_wait3A_816 : memref<1x256x128xf32, #tpu.memory_space<vmem>> -> memref<256x128xf32, #tpu.memory_space<vmem>>
          tpu.wait_dma2 semaphore(%arg11 : memref<!tpu.dma_semaphore, #tpu.memory_space<semaphore_mem>>) src(%dma_wait3A_817 : memref<256x128xf32, #tpu.memory_space<vmem>>) dst(%dma_wait3A_813 : memref<256x128xf32, #tpu.memory_space<hbm>>)
        } else {
        }
        %add3A_719 = arith.constant 1 : i32
        %add3A_720 = arith.addi %add3A_113, %add3A_719 : i32
        %jit3A_721 = arith.constant 16 : i32
        %div3A_722 = arith.divsi %add3A_720, %jit3A_721 : i32
        %sign3A_723 = arith.constant 0 : i32
        %sign3A_724 = arith.cmpi sgt, %add3A_720, %sign3A_723 : i32
        %sign3A_725 = arith.extui %sign3A_724 : i1 to i32
        %sign3A_726 = arith.constant 0 : i32
        %sign3A_727 = arith.cmpi slt, %add3A_720, %sign3A_726 : i32
        %sign3A_728 = arith.extui %sign3A_727 : i1 to i32
        %sign3A_729 = arith.subi %sign3A_725, %sign3A_728 : i32
        %sign3A_730 = arith.constant 0 : i32
        %sign3A_731 = arith.cmpi sgt, %jit3A_721, %sign3A_730 : i32
        %sign3A_732 = arith.extui %sign3A_731 : i1 to i32
        %sign3A_733 = arith.constant 0 : i32
        %sign3A_734 = arith.cmpi slt, %jit3A_721, %sign3A_733 : i32
        %sign3A_735 = arith.extui %sign3A_734 : i1 to i32
        %sign3A_736 = arith.subi %sign3A_732, %sign3A_735 : i32
        %ne3A_737 = arith.cmpi ne, %sign3A_729, %sign3A_736 : i32
        %rem3A_738 = arith.remsi %add3A_720, %jit3A_721 : i32
        %ne3A_739 = arith.constant 0 : i32
        %ne3A_740 = arith.cmpi ne, %rem3A_738, %ne3A_739 : i32
        %and3A_741 = arith.andi %ne3A_737, %ne3A_740 : i1
        %sub3A_742 = arith.constant 1 : i32
        %sub3A_743 = arith.subi %div3A_722, %sub3A_742 : i32
        %select_n3A_744 = arith.select %and3A_741, %sub3A_743, %div3A_722 : i32
        %jit3A_745 = arith.constant 2 : i32
        %eq3A_746 = arith.constant 0 : i32
        %eq3A_747 = arith.cmpi eq, %jit3A_745, %eq3A_746 : i32
        %jit3A_748 = arith.constant 1 : i32
        %select_n3A_749 = arith.select %eq3A_747, %jit3A_748, %jit3A_745 : i32
        %rem3A_750 = arith.remsi %select_n3A_744, %select_n3A_749 : i32
        %ne3A_751 = arith.constant 0 : i32
        %ne3A_752 = arith.cmpi ne, %rem3A_750, %ne3A_751 : i32
        %lt3A_753 = arith.constant 0 : i32
        %lt3A_754 = arith.cmpi slt, %rem3A_750, %lt3A_753 : i32
        %lt3A_755 = arith.constant 0 : i32
        %lt3A_756 = arith.cmpi slt, %select_n3A_749, %lt3A_755 : i32
        %ne3A_757 = arith.xori %lt3A_754, %lt3A_756 : i1
        %and3A_758 = arith.andi %ne3A_757, %ne3A_752 : i1
        %add3A_759 = arith.addi %rem3A_750, %select_n3A_749 : i32
        %select_n3A_760 = arith.select %and3A_758, %add3A_759, %rem3A_750 : i32
        %jit3A_761 = arith.constant 16 : i32
        %eq3A_762 = arith.constant 0 : i32
        %eq3A_763 = arith.cmpi eq, %jit3A_761, %eq3A_762 : i32
        %jit3A_764 = arith.constant 1 : i32
        %select_n3A_765 = arith.select %eq3A_763, %jit3A_764, %jit3A_761 : i32
        %rem3A_766 = arith.remsi %add3A_720, %select_n3A_765 : i32
        %ne3A_767 = arith.constant 0 : i32
        %ne3A_768 = arith.cmpi ne, %rem3A_766, %ne3A_767 : i32
        %lt3A_769 = arith.constant 0 : i32
        %lt3A_770 = arith.cmpi slt, %rem3A_766, %lt3A_769 : i32
        %lt3A_771 = arith.constant 0 : i32
        %lt3A_772 = arith.cmpi slt, %select_n3A_765, %lt3A_771 : i32
        %ne3A_773 = arith.xori %lt3A_770, %lt3A_772 : i1
        %and3A_774 = arith.andi %ne3A_773, %ne3A_768 : i1
        %add3A_775 = arith.addi %rem3A_766, %select_n3A_765 : i32
        %select_n3A_776 = arith.select %and3A_774, %add3A_775, %rem3A_766 : i32
        %mul3A_777 = arith.constant 2 : i32
        %mul3A_778 = arith.muli %select_n3A_776, %mul3A_777 : i32
        %add3A_779 = arith.constant 0 : i32
        %add3A_780 = arith.addi %mul3A_778, %add3A_779 : i32
        %dma_start3A_781 = arith.constant 1 : i32
        %dma_start3A_782 = arith.constant 0 : i32
        %dma_start3A_783 = arith.constant 0 : i32
        %dma_start3A_784 = tpu.memref_slice %arg6[%dma_start3A_781, %dma_start3A_782, %dma_start3A_783] : memref<2x256x128xf32, #tpu.memory_space<vmem>> -> memref<1x128x128xf32, #tpu.memory_space<vmem>>
        %dma_start3A_785 = tpu.memref_squeeze %dma_start3A_784 : memref<1x128x128xf32, #tpu.memory_space<vmem>> -> memref<128x128xf32, #tpu.memory_space<vmem>>
        %dma_start3A_786 = arith.constant 0 : i32
        %dma_start3A_787 = tpu.memref_slice %arg5[%select_n3A_760, %add3A_780, %dma_start3A_786] : memref<2x32x128xi32, #tpu.memory_space<vmem>> -> memref<1x1x128xi32, #tpu.memory_space<vmem>>
        %dma_start3A_788 = tpu.memref_squeeze %dma_start3A_787 : memref<1x1x128xi32, #tpu.memory_space<vmem>> -> memref<128xi32, #tpu.memory_space<vmem>>
        %dma_start3A_789 = arith.constant 0 : i32
        %dma_start3A_790 = arith.constant 0 : i32
        %dma_start3A_791 = tpu.memref_slice %arg7[%dma_start3A_789, %dma_start3A_790] : memref<122x128xf32, #tpu.memory_space<vmem_shared>> -> memref<122x128xf32, #tpu.memory_space<vmem_shared>>
        tpu.enqueue_indirect_dma source(%dma_start3A_791 : memref<122x128xf32, #tpu.memory_space<vmem_shared>>) target(%dma_start3A_785 : memref<128x128xf32, #tpu.memory_space<vmem>>) offsets(%dma_start3A_788 : memref<128xi32, #tpu.memory_space<vmem>>) semaphore(%arg9 : memref<!tpu.dma_semaphore, #tpu.memory_space<semaphore_mem>>)
        %add3A_792 = arith.constant 1 : i32
        %add3A_793 = arith.addi %mul3A_778, %add3A_792 : i32
        %dma_start3A_794 = arith.constant 1 : i32
        %dma_start3A_795 = arith.constant 128 : i32
        %dma_start3A_796 = arith.constant 0 : i32
        %dma_start3A_797 = tpu.memref_slice %arg6[%dma_start3A_794, %dma_start3A_795, %dma_start3A_796] : memref<2x256x128xf32, #tpu.memory_space<vmem>> -> memref<1x128x128xf32, #tpu.memory_space<vmem>>
        %dma_start3A_798 = tpu.memref_squeeze %dma_start3A_797 : memref<1x128x128xf32, #tpu.memory_space<vmem>> -> memref<128x128xf32, #tpu.memory_space<vmem>>
        %dma_start3A_799 = arith.constant 0 : i32
        %dma_start3A_800 = tpu.memref_slice %arg5[%select_n3A_760, %add3A_793, %dma_start3A_799] : memref<2x32x128xi32, #tpu.memory_space<vmem>> -> memref<1x1x128xi32, #tpu.memory_space<vmem>>
        %dma_start3A_801 = tpu.memref_squeeze %dma_start3A_800 : memref<1x1x128xi32, #tpu.memory_space<vmem>> -> memref<128xi32, #tpu.memory_space<vmem>>
        %dma_start3A_802 = arith.constant 0 : i32
        %dma_start3A_803 = arith.constant 0 : i32
        %dma_start3A_804 = tpu.memref_slice %arg7[%dma_start3A_802, %dma_start3A_803] : memref<122x128xf32, #tpu.memory_space<vmem_shared>> -> memref<122x128xf32, #tpu.memory_space<vmem_shared>>
        tpu.enqueue_indirect_dma source(%dma_start3A_804 : memref<122x128xf32, #tpu.memory_space<vmem_shared>>) target(%dma_start3A_798 : memref<128x128xf32, #tpu.memory_space<vmem>>) offsets(%dma_start3A_801 : memref<128xi32, #tpu.memory_space<vmem>>) semaphore(%arg9 : memref<!tpu.dma_semaphore, #tpu.memory_space<semaphore_mem>>)
      } else {
      }
      %dma_wait3A_120 = arith.constant 0 : i32
      %dma_wait3A_121 = arith.constant 0 : i32
      %dma_wait3A_122 = arith.constant 0 : i32
      %dma_wait3A_123 = arith.constant 0 : i32
      %dma_wait3A_124 = arith.constant 0 : i32
      %dma_wait3A_125 = tpu.memref_slice %arg6[%dma_wait3A_122, %dma_wait3A_123, %dma_wait3A_124] : memref<2x256x128xf32, #tpu.memory_space<vmem>> -> memref<1x128x128xf32, #tpu.memory_space<vmem>>
      %dma_wait3A_126 = tpu.memref_squeeze %dma_wait3A_125 : memref<1x128x128xf32, #tpu.memory_space<vmem>> -> memref<128x128xf32, #tpu.memory_space<vmem>>
      %dma_wait3A_127 = arith.constant 0 : i32
      %dma_wait3A_128 = tpu.memref_slice %arg5[%dma_wait3A_120, %dma_wait3A_121, %dma_wait3A_127] : memref<2x32x128xi32, #tpu.memory_space<vmem>> -> memref<1x1x128xi32, #tpu.memory_space<vmem>>
      %dma_wait3A_129 = tpu.memref_squeeze %dma_wait3A_128 : memref<1x1x128xi32, #tpu.memory_space<vmem>> -> memref<128xi32, #tpu.memory_space<vmem>>
      %dma_wait3A_130 = arith.constant 0 : i32
      %dma_wait3A_131 = arith.constant 0 : i32
      %dma_wait3A_132 = tpu.memref_slice %arg7[%dma_wait3A_130, %dma_wait3A_131] : memref<122x128xf32, #tpu.memory_space<vmem_shared>> -> memref<122x128xf32, #tpu.memory_space<vmem_shared>>
      tpu.wait_indirect_dma semaphore(%arg8 : memref<!tpu.dma_semaphore, #tpu.memory_space<semaphore_mem>>) src(%dma_wait3A_132 : memref<122x128xf32, #tpu.memory_space<vmem_shared>>) dst(%dma_wait3A_126 : memref<128x128xf32, #tpu.memory_space<vmem>>)
      %dma_wait3A_133 = arith.constant 0 : i32
      %dma_wait3A_134 = arith.constant 1 : i32
      %dma_wait3A_135 = arith.constant 0 : i32
      %dma_wait3A_136 = arith.constant 128 : i32
      %dma_wait3A_137 = arith.constant 0 : i32
      %dma_wait3A_138 = tpu.memref_slice %arg6[%dma_wait3A_135, %dma_wait3A_136, %dma_wait3A_137] : memref<2x256x128xf32, #tpu.memory_space<vmem>> -> memref<1x128x128xf32, #tpu.memory_space<vmem>>
      %dma_wait3A_139 = tpu.memref_squeeze %dma_wait3A_138 : memref<1x128x128xf32, #tpu.memory_space<vmem>> -> memref<128x128xf32, #tpu.memory_space<vmem>>
      %dma_wait3A_140 = arith.constant 0 : i32
      %dma_wait3A_141 = tpu.memref_slice %arg5[%dma_wait3A_133, %dma_wait3A_134, %dma_wait3A_140] : memref<2x32x128xi32, #tpu.memory_space<vmem>> -> memref<1x1x128xi32, #tpu.memory_space<vmem>>
      %dma_wait3A_142 = tpu.memref_squeeze %dma_wait3A_141 : memref<1x1x128xi32, #tpu.memory_space<vmem>> -> memref<128xi32, #tpu.memory_space<vmem>>
      %dma_wait3A_143 = arith.constant 0 : i32
      %dma_wait3A_144 = arith.constant 0 : i32
      %dma_wait3A_145 = tpu.memref_slice %arg7[%dma_wait3A_143, %dma_wait3A_144] : memref<122x128xf32, #tpu.memory_space<vmem_shared>> -> memref<122x128xf32, #tpu.memory_space<vmem_shared>>
      tpu.wait_indirect_dma semaphore(%arg8 : memref<!tpu.dma_semaphore, #tpu.memory_space<semaphore_mem>>) src(%dma_wait3A_145 : memref<122x128xf32, #tpu.memory_space<vmem_shared>>) dst(%dma_wait3A_139 : memref<128x128xf32, #tpu.memory_space<vmem>>)
      %jit3A = arith.constant 16 : i32
      %eq3A_146 = arith.constant 0 : i32
      %eq3A_147 = arith.cmpi eq, %jit3A, %eq3A_146 : i32
      %jit3A_148 = arith.constant 1 : i32
      %select_n3A = arith.select %eq3A_147, %jit3A_148, %jit3A : i32
      %rem3A = arith.remsi %add3A_113, %select_n3A : i32
      %ne3A = arith.constant 0 : i32
      %ne3A_149 = arith.cmpi ne, %rem3A, %ne3A : i32
      %lt3A_150 = arith.constant 0 : i32
      %lt3A_151 = arith.cmpi slt, %rem3A, %lt3A_150 : i32
      %lt3A_152 = arith.constant 0 : i32
      %lt3A_153 = arith.cmpi slt, %select_n3A, %lt3A_152 : i32
      %ne3A_154 = arith.xori %lt3A_151, %lt3A_153 : i1
      %and3A = arith.andi %ne3A_154, %ne3A_149 : i1
      %add3A_155 = arith.addi %rem3A, %select_n3A : i32
      %select_n3A_156 = arith.select %and3A, %add3A_155, %rem3A : i32
      %eq3A_157 = arith.constant 15 : i32
      %eq3A_158 = arith.cmpi eq, %select_n3A_156, %eq3A_157 : i32
      %jit3A_159 = arith.constant 16 : i32
      %div3A = arith.divsi %add3A_113, %jit3A_159 : i32
      %sign3A = arith.constant 0 : i32
      %sign3A_160 = arith.cmpi sgt, %add3A_113, %sign3A : i32
      %sign3A_161 = arith.extui %sign3A_160 : i1 to i32
      %sign3A_162 = arith.constant 0 : i32
      %sign3A_163 = arith.cmpi slt, %add3A_113, %sign3A_162 : i32
      %sign3A_164 = arith.extui %sign3A_163 : i1 to i32
      %sign3A_165 = arith.subi %sign3A_161, %sign3A_164 : i32
      %sign3A_166 = arith.constant 0 : i32
      %sign3A_167 = arith.cmpi sgt, %jit3A_159, %sign3A_166 : i32
      %sign3A_168 = arith.extui %sign3A_167 : i1 to i32
      %sign3A_169 = arith.constant 0 : i32
      %sign3A_170 = arith.cmpi slt, %jit3A_159, %sign3A_169 : i32
      %sign3A_171 = arith.extui %sign3A_170 : i1 to i32
      %sign3A_172 = arith.subi %sign3A_168, %sign3A_171 : i32
      %ne3A_173 = arith.cmpi ne, %sign3A_165, %sign3A_172 : i32
      %rem3A_174 = arith.remsi %add3A_113, %jit3A_159 : i32
      %ne3A_175 = arith.constant 0 : i32
      %ne3A_176 = arith.cmpi ne, %rem3A_174, %ne3A_175 : i32
      %and3A_177 = arith.andi %ne3A_173, %ne3A_176 : i1
      %sub3A = arith.constant 1 : i32
      %sub3A_178 = arith.subi %div3A, %sub3A : i32
      %select_n3A_179 = arith.select %and3A_177, %sub3A_178, %div3A : i32
      %add3A_180 = arith.constant 2 : i32
      %add3A_181 = arith.addi %select_n3A_179, %add3A_180 : i32
      %lt3A_182 = arith.constant 25 : i32
      %lt3A_183 = arith.cmpi slt, %add3A_181, %lt3A_182 : i32
      %and3A_184 = arith.andi %eq3A_158, %lt3A_183 : i1
      %jit3A_185 = arith.constant 16 : i32
      %div3A_186 = arith.divsi %add3A_113, %jit3A_185 : i32
      %sign3A_187 = arith.constant 0 : i32
      %sign3A_188 = arith.cmpi sgt, %add3A_113, %sign3A_187 : i32
      %sign3A_189 = arith.extui %sign3A_188 : i1 to i32
      %sign3A_190 = arith.constant 0 : i32
      %sign3A_191 = arith.cmpi slt, %add3A_113, %sign3A_190 : i32
      %sign3A_192 = arith.extui %sign3A_191 : i1 to i32
      %sign3A_193 = arith.subi %sign3A_189, %sign3A_192 : i32
      %sign3A_194 = arith.constant 0 : i32
      %sign3A_195 = arith.cmpi sgt, %jit3A_185, %sign3A_194 : i32
      %sign3A_196 = arith.extui %sign3A_195 : i1 to i32
      %sign3A_197 = arith.constant 0 : i32
      %sign3A_198 = arith.cmpi slt, %jit3A_185, %sign3A_197 : i32
      %sign3A_199 = arith.extui %sign3A_198 : i1 to i32
      %sign3A_200 = arith.subi %sign3A_196, %sign3A_199 : i32
      %ne3A_201 = arith.cmpi ne, %sign3A_193, %sign3A_200 : i32
      %rem3A_202 = arith.remsi %add3A_113, %jit3A_185 : i32
      %ne3A_203 = arith.constant 0 : i32
      %ne3A_204 = arith.cmpi ne, %rem3A_202, %ne3A_203 : i32
      %and3A_205 = arith.andi %ne3A_201, %ne3A_204 : i1
      %sub3A_206 = arith.constant 1 : i32
      %sub3A_207 = arith.subi %div3A_186, %sub3A_206 : i32
      %select_n3A_208 = arith.select %and3A_205, %sub3A_207, %div3A_186 : i32
      %jit3A_209 = arith.constant 2 : i32
      %eq3A_210 = arith.constant 0 : i32
      %eq3A_211 = arith.cmpi eq, %jit3A_209, %eq3A_210 : i32
      %jit3A_212 = arith.constant 1 : i32
      %select_n3A_213 = arith.select %eq3A_211, %jit3A_212, %jit3A_209 : i32
      %rem3A_214 = arith.remsi %select_n3A_208, %select_n3A_213 : i32
      %ne3A_215 = arith.constant 0 : i32
      %ne3A_216 = arith.cmpi ne, %rem3A_214, %ne3A_215 : i32
      %lt3A_217 = arith.constant 0 : i32
      %lt3A_218 = arith.cmpi slt, %rem3A_214, %lt3A_217 : i32
      %lt3A_219 = arith.constant 0 : i32
      %lt3A_220 = arith.cmpi slt, %select_n3A_213, %lt3A_219 : i32
      %ne3A_221 = arith.xori %lt3A_218, %lt3A_220 : i1
      %and3A_222 = arith.andi %ne3A_221, %ne3A_216 : i1
      %add3A_223 = arith.addi %rem3A_214, %select_n3A_213 : i32
      %select_n3A_224 = arith.select %and3A_222, %add3A_223, %rem3A_214 : i32
      %eq3A_225 = arith.constant 0 : i32
      %eq3A_226 = arith.cmpi eq, %select_n3A_224, %eq3A_225 : i32
      %and3A_227 = arith.andi %and3A_184, %eq3A_226 : i1
      %convert_element_type3A_228 = arith.extui %and3A_227 : i1 to i32
      %cond3A_229 = arith.constant 0 : i32
      %cond3A_230 = arith.cmpi ne, %convert_element_type3A_228, %cond3A_229 : i32
      scf.if %cond3A_230 {
        %jit3A_579 = arith.constant 16 : i32
        %div3A_580 = arith.divsi %add3A_113, %jit3A_579 : i32
        %sign3A_581 = arith.constant 0 : i32
        %sign3A_582 = arith.cmpi sgt, %add3A_113, %sign3A_581 : i32
        %sign3A_583 = arith.extui %sign3A_582 : i1 to i32
        %sign3A_584 = arith.constant 0 : i32
        %sign3A_585 = arith.cmpi slt, %add3A_113, %sign3A_584 : i32
        %sign3A_586 = arith.extui %sign3A_585 : i1 to i32
        %sign3A_587 = arith.subi %sign3A_583, %sign3A_586 : i32
        %sign3A_588 = arith.constant 0 : i32
        %sign3A_589 = arith.cmpi sgt, %jit3A_579, %sign3A_588 : i32
        %sign3A_590 = arith.extui %sign3A_589 : i1 to i32
        %sign3A_591 = arith.constant 0 : i32
        %sign3A_592 = arith.cmpi slt, %jit3A_579, %sign3A_591 : i32
        %sign3A_593 = arith.extui %sign3A_592 : i1 to i32
        %sign3A_594 = arith.subi %sign3A_590, %sign3A_593 : i32
        %ne3A_595 = arith.cmpi ne, %sign3A_587, %sign3A_594 : i32
        %rem3A_596 = arith.remsi %add3A_113, %jit3A_579 : i32
        %ne3A_597 = arith.constant 0 : i32
        %ne3A_598 = arith.cmpi ne, %rem3A_596, %ne3A_597 : i32
        %and3A_599 = arith.andi %ne3A_595, %ne3A_598 : i1
        %sub3A_600 = arith.constant 1 : i32
        %sub3A_601 = arith.subi %div3A_580, %sub3A_600 : i32
        %select_n3A_602 = arith.select %and3A_599, %sub3A_601, %div3A_580 : i32
        %add3A_603 = arith.constant 2 : i32
        %add3A_604 = arith.addi %select_n3A_602, %add3A_603 : i32
        %mul3A_605 = arith.constant 800 : i32
        %mul3A_606 = arith.muli %add3A, %mul3A_605 : i32
        %mul3A_607 = arith.constant 32 : i32
        %mul3A_608 = arith.muli %add3A_604, %mul3A_607 : i32
        %add3A_609 = arith.addi %mul3A_606, %mul3A_608 : i32
        %dma_start3A_610 = arith.constant 0 : i32
        %dma_start3A_611 = arith.constant 0 : i32
        %dma_start3A_612 = arith.constant 0 : i32
        %dma_start3A_613 = tpu.memref_slice %arg5[%dma_start3A_610, %dma_start3A_611, %dma_start3A_612] : memref<2x32x128xi32, #tpu.memory_space<vmem>> -> memref<1x32x128xi32, #tpu.memory_space<vmem>>
        %dma_start3A_614 = tpu.memref_squeeze %dma_start3A_613 : memref<1x32x128xi32, #tpu.memory_space<vmem>> -> memref<32x128xi32, #tpu.memory_space<vmem>>
        %dma_start3A_615 = arith.constant 0 : i32
        %dma_start3A_616 = tpu.memref_slice %arg2[%add3A_609, %dma_start3A_615] : memref<25600x128xi32, #tpu.memory_space<hbm>> -> memref<32x128xi32, #tpu.memory_space<hbm>>
        %dma_start3A_617 = arith.constant 0 : i32
        %dma_start3A_618 = arith.constant 0 : i32
        %dma_start3A_619 = tpu.memref_slice %arg5[%dma_start3A_610, %dma_start3A_617, %dma_start3A_618] : memref<2x32x128xi32, #tpu.memory_space<vmem>> -> memref<1x32x128xi32, #tpu.memory_space<vmem>>
        %dma_start3A_620 = tpu.memref_squeeze %dma_start3A_619 : memref<1x32x128xi32, #tpu.memory_space<vmem>> -> memref<32x128xi32, #tpu.memory_space<vmem>>
        %dma_start3A_621 = arith.constant 0 : i32
        %dma_start3A_622 = tpu.memref_slice %arg2[%add3A_609, %dma_start3A_621] : memref<25600x128xi32, #tpu.memory_space<hbm>> -> memref<32x128xi32, #tpu.memory_space<hbm>>
        tpu.enqueue_dma source(%dma_start3A_622 : memref<32x128xi32, #tpu.memory_space<hbm>>) target(%dma_start3A_620 : memref<32x128xi32, #tpu.memory_space<vmem>>) target_semaphore(%arg12 : memref<!tpu.dma_semaphore, #tpu.memory_space<semaphore_mem>>)
      } else {
      }
      %jit3A_231 = arith.constant 16 : i32
      %eq3A_232 = arith.constant 0 : i32
      %eq3A_233 = arith.cmpi eq, %jit3A_231, %eq3A_232 : i32
      %jit3A_234 = arith.constant 1 : i32
      %select_n3A_235 = arith.select %eq3A_233, %jit3A_234, %jit3A_231 : i32
      %rem3A_236 = arith.remsi %add3A_113, %select_n3A_235 : i32
      %ne3A_237 = arith.constant 0 : i32
      %ne3A_238 = arith.cmpi ne, %rem3A_236, %ne3A_237 : i32
      %lt3A_239 = arith.constant 0 : i32
      %lt3A_240 = arith.cmpi slt, %rem3A_236, %lt3A_239 : i32
      %lt3A_241 = arith.constant 0 : i32
      %lt3A_242 = arith.cmpi slt, %select_n3A_235, %lt3A_241 : i32
      %ne3A_243 = arith.xori %lt3A_240, %lt3A_242 : i1
      %and3A_244 = arith.andi %ne3A_243, %ne3A_238 : i1
      %add3A_245 = arith.addi %rem3A_236, %select_n3A_235 : i32
      %select_n3A_246 = arith.select %and3A_244, %add3A_245, %rem3A_236 : i32
      %eq3A_247 = arith.constant 15 : i32
      %eq3A_248 = arith.cmpi eq, %select_n3A_246, %eq3A_247 : i32
      %jit3A_249 = arith.constant 16 : i32
      %div3A_250 = arith.divsi %add3A_113, %jit3A_249 : i32
      %sign3A_251 = arith.constant 0 : i32
      %sign3A_252 = arith.cmpi sgt, %add3A_113, %sign3A_251 : i32
      %sign3A_253 = arith.extui %sign3A_252 : i1 to i32
      %sign3A_254 = arith.constant 0 : i32
      %sign3A_255 = arith.cmpi slt, %add3A_113, %sign3A_254 : i32
      %sign3A_256 = arith.extui %sign3A_255 : i1 to i32
      %sign3A_257 = arith.subi %sign3A_253, %sign3A_256 : i32
      %sign3A_258 = arith.constant 0 : i32
      %sign3A_259 = arith.cmpi sgt, %jit3A_249, %sign3A_258 : i32
      %sign3A_260 = arith.extui %sign3A_259 : i1 to i32
      %sign3A_261 = arith.constant 0 : i32
      %sign3A_262 = arith.cmpi slt, %jit3A_249, %sign3A_261 : i32
      %sign3A_263 = arith.extui %sign3A_262 : i1 to i32
      %sign3A_264 = arith.subi %sign3A_260, %sign3A_263 : i32
      %ne3A_265 = arith.cmpi ne, %sign3A_257, %sign3A_264 : i32
      %rem3A_266 = arith.remsi %add3A_113, %jit3A_249 : i32
      %ne3A_267 = arith.constant 0 : i32
      %ne3A_268 = arith.cmpi ne, %rem3A_266, %ne3A_267 : i32
      %and3A_269 = arith.andi %ne3A_265, %ne3A_268 : i1
      %sub3A_270 = arith.constant 1 : i32
      %sub3A_271 = arith.subi %div3A_250, %sub3A_270 : i32
      %select_n3A_272 = arith.select %and3A_269, %sub3A_271, %div3A_250 : i32
      %add3A_273 = arith.constant 2 : i32
      %add3A_274 = arith.addi %select_n3A_272, %add3A_273 : i32
      %lt3A_275 = arith.constant 25 : i32
      %lt3A_276 = arith.cmpi slt, %add3A_274, %lt3A_275 : i32
      %and3A_277 = arith.andi %eq3A_248, %lt3A_276 : i1
      %jit3A_278 = arith.constant 16 : i32
      %div3A_279 = arith.divsi %add3A_113, %jit3A_278 : i32
      %sign3A_280 = arith.constant 0 : i32
      %sign3A_281 = arith.cmpi sgt, %add3A_113, %sign3A_280 : i32
      %sign3A_282 = arith.extui %sign3A_281 : i1 to i32
      %sign3A_283 = arith.constant 0 : i32
      %sign3A_284 = arith.cmpi slt, %add3A_113, %sign3A_283 : i32
      %sign3A_285 = arith.extui %sign3A_284 : i1 to i32
      %sign3A_286 = arith.subi %sign3A_282, %sign3A_285 : i32
      %sign3A_287 = arith.constant 0 : i32
      %sign3A_288 = arith.cmpi sgt, %jit3A_278, %sign3A_287 : i32
      %sign3A_289 = arith.extui %sign3A_288 : i1 to i32
      %sign3A_290 = arith.constant 0 : i32
      %sign3A_291 = arith.cmpi slt, %jit3A_278, %sign3A_290 : i32
      %sign3A_292 = arith.extui %sign3A_291 : i1 to i32
      %sign3A_293 = arith.subi %sign3A_289, %sign3A_292 : i32
      %ne3A_294 = arith.cmpi ne, %sign3A_286, %sign3A_293 : i32
      %rem3A_295 = arith.remsi %add3A_113, %jit3A_278 : i32
      %ne3A_296 = arith.constant 0 : i32
      %ne3A_297 = arith.cmpi ne, %rem3A_295, %ne3A_296 : i32
      %and3A_298 = arith.andi %ne3A_294, %ne3A_297 : i1
      %sub3A_299 = arith.constant 1 : i32
      %sub3A_300 = arith.subi %div3A_279, %sub3A_299 : i32
      %select_n3A_301 = arith.select %and3A_298, %sub3A_300, %div3A_279 : i32
      %jit3A_302 = arith.constant 2 : i32
      %eq3A_303 = arith.constant 0 : i32
      %eq3A_304 = arith.cmpi eq, %jit3A_302, %eq3A_303 : i32
      %jit3A_305 = arith.constant 1 : i32
      %select_n3A_306 = arith.select %eq3A_304, %jit3A_305, %jit3A_302 : i32
      %rem3A_307 = arith.remsi %select_n3A_301, %select_n3A_306 : i32
      %ne3A_308 = arith.constant 0 : i32
      %ne3A_309 = arith.cmpi ne, %rem3A_307, %ne3A_308 : i32
      %lt3A_310 = arith.constant 0 : i32
      %lt3A_311 = arith.cmpi slt, %rem3A_307, %lt3A_310 : i32
      %lt3A_312 = arith.constant 0 : i32
      %lt3A_313 = arith.cmpi slt, %select_n3A_306, %lt3A_312 : i32
      %ne3A_314 = arith.xori %lt3A_311, %lt3A_313 : i1
      %and3A_315 = arith.andi %ne3A_314, %ne3A_309 : i1
      %add3A_316 = arith.addi %rem3A_307, %select_n3A_306 : i32
      %select_n3A_317 = arith.select %and3A_315, %add3A_316, %rem3A_307 : i32
      %eq3A_318 = arith.constant 1 : i32
      %eq3A_319 = arith.cmpi eq, %select_n3A_317, %eq3A_318 : i32
      %and3A_320 = arith.andi %and3A_277, %eq3A_319 : i1
      %convert_element_type3A_321 = arith.extui %and3A_320 : i1 to i32
      %cond3A_322 = arith.constant 0 : i32
      %cond3A_323 = arith.cmpi ne, %convert_element_type3A_321, %cond3A_322 : i32
      scf.if %cond3A_323 {
        %jit3A_579 = arith.constant 16 : i32
        %div3A_580 = arith.divsi %add3A_113, %jit3A_579 : i32
        %sign3A_581 = arith.constant 0 : i32
        %sign3A_582 = arith.cmpi sgt, %add3A_113, %sign3A_581 : i32
        %sign3A_583 = arith.extui %sign3A_582 : i1 to i32
        %sign3A_584 = arith.constant 0 : i32
        %sign3A_585 = arith.cmpi slt, %add3A_113, %sign3A_584 : i32
        %sign3A_586 = arith.extui %sign3A_585 : i1 to i32
        %sign3A_587 = arith.subi %sign3A_583, %sign3A_586 : i32
        %sign3A_588 = arith.constant 0 : i32
        %sign3A_589 = arith.cmpi sgt, %jit3A_579, %sign3A_588 : i32
        %sign3A_590 = arith.extui %sign3A_589 : i1 to i32
        %sign3A_591 = arith.constant 0 : i32
        %sign3A_592 = arith.cmpi slt, %jit3A_579, %sign3A_591 : i32
        %sign3A_593 = arith.extui %sign3A_592 : i1 to i32
        %sign3A_594 = arith.subi %sign3A_590, %sign3A_593 : i32
        %ne3A_595 = arith.cmpi ne, %sign3A_587, %sign3A_594 : i32
        %rem3A_596 = arith.remsi %add3A_113, %jit3A_579 : i32
        %ne3A_597 = arith.constant 0 : i32
        %ne3A_598 = arith.cmpi ne, %rem3A_596, %ne3A_597 : i32
        %and3A_599 = arith.andi %ne3A_595, %ne3A_598 : i1
        %sub3A_600 = arith.constant 1 : i32
        %sub3A_601 = arith.subi %div3A_580, %sub3A_600 : i32
        %select_n3A_602 = arith.select %and3A_599, %sub3A_601, %div3A_580 : i32
        %add3A_603 = arith.constant 2 : i32
        %add3A_604 = arith.addi %select_n3A_602, %add3A_603 : i32
        %mul3A_605 = arith.constant 800 : i32
        %mul3A_606 = arith.muli %add3A, %mul3A_605 : i32
        %mul3A_607 = arith.constant 32 : i32
        %mul3A_608 = arith.muli %add3A_604, %mul3A_607 : i32
        %add3A_609 = arith.addi %mul3A_606, %mul3A_608 : i32
        %dma_start3A_610 = arith.constant 1 : i32
        %dma_start3A_611 = arith.constant 0 : i32
        %dma_start3A_612 = arith.constant 0 : i32
        %dma_start3A_613 = tpu.memref_slice %arg5[%dma_start3A_610, %dma_start3A_611, %dma_start3A_612] : memref<2x32x128xi32, #tpu.memory_space<vmem>> -> memref<1x32x128xi32, #tpu.memory_space<vmem>>
        %dma_start3A_614 = tpu.memref_squeeze %dma_start3A_613 : memref<1x32x128xi32, #tpu.memory_space<vmem>> -> memref<32x128xi32, #tpu.memory_space<vmem>>
        %dma_start3A_615 = arith.constant 0 : i32
        %dma_start3A_616 = tpu.memref_slice %arg2[%add3A_609, %dma_start3A_615] : memref<25600x128xi32, #tpu.memory_space<hbm>> -> memref<32x128xi32, #tpu.memory_space<hbm>>
        %dma_start3A_617 = arith.constant 0 : i32
        %dma_start3A_618 = arith.constant 0 : i32
        %dma_start3A_619 = tpu.memref_slice %arg5[%dma_start3A_610, %dma_start3A_617, %dma_start3A_618] : memref<2x32x128xi32, #tpu.memory_space<vmem>> -> memref<1x32x128xi32, #tpu.memory_space<vmem>>
        %dma_start3A_620 = tpu.memref_squeeze %dma_start3A_619 : memref<1x32x128xi32, #tpu.memory_space<vmem>> -> memref<32x128xi32, #tpu.memory_space<vmem>>
        %dma_start3A_621 = arith.constant 0 : i32
        %dma_start3A_622 = tpu.memref_slice %arg2[%add3A_609, %dma_start3A_621] : memref<25600x128xi32, #tpu.memory_space<hbm>> -> memref<32x128xi32, #tpu.memory_space<hbm>>
        tpu.enqueue_dma source(%dma_start3A_622 : memref<32x128xi32, #tpu.memory_space<hbm>>) target(%dma_start3A_620 : memref<32x128xi32, #tpu.memory_space<vmem>>) target_semaphore(%arg13 : memref<!tpu.dma_semaphore, #tpu.memory_space<semaphore_mem>>)
      } else {
      }
      %mul3A_324 = arith.constant 256 : i32
      %mul3A_325 = arith.muli %add3A_113, %mul3A_324 : i32
      %add3A_326 = arith.addi %mul3A_2, %mul3A_325 : i32
      %dma_start3A_327 = arith.constant 0 : i32
      %dma_start3A_328 = arith.constant 0 : i32
      %dma_start3A_329 = arith.constant 0 : i32
      %dma_start3A_330 = tpu.memref_slice %arg6[%dma_start3A_327, %dma_start3A_328, %dma_start3A_329] : memref<2x256x128xf32, #tpu.memory_space<vmem>> -> memref<1x256x128xf32, #tpu.memory_space<vmem>>
      %dma_start3A_331 = tpu.memref_squeeze %dma_start3A_330 : memref<1x256x128xf32, #tpu.memory_space<vmem>> -> memref<256x128xf32, #tpu.memory_space<vmem>>
      %dma_start3A_332 = arith.constant 0 : i32
      %dma_start3A_333 = tpu.memref_slice %arg4[%add3A_326, %dma_start3A_332] : memref<3276800x128xf32, #tpu.memory_space<hbm>> -> memref<256x128xf32, #tpu.memory_space<hbm>>
      %dma_start3A_334 = arith.constant 0 : i32
      %dma_start3A_335 = tpu.memref_slice %arg4[%add3A_326, %dma_start3A_334] : memref<3276800x128xf32, #tpu.memory_space<hbm>> -> memref<256x128xf32, #tpu.memory_space<hbm>>
      %dma_start3A_336 = arith.constant 0 : i32
      %dma_start3A_337 = arith.constant 0 : i32
      %dma_start3A_338 = tpu.memref_slice %arg6[%dma_start3A_327, %dma_start3A_336, %dma_start3A_337] : memref<2x256x128xf32, #tpu.memory_space<vmem>> -> memref<1x256x128xf32, #tpu.memory_space<vmem>>
      %dma_start3A_339 = tpu.memref_squeeze %dma_start3A_338 : memref<1x256x128xf32, #tpu.memory_space<vmem>> -> memref<256x128xf32, #tpu.memory_space<vmem>>
      tpu.enqueue_dma source(%dma_start3A_339 : memref<256x128xf32, #tpu.memory_space<vmem>>) target(%dma_start3A_335 : memref<256x128xf32, #tpu.memory_space<hbm>>) target_semaphore(%arg10 : memref<!tpu.dma_semaphore, #tpu.memory_space<semaphore_mem>>)
      %mul3A_340 = arith.constant 2 : i32
      %mul3A_341 = arith.muli %mul3A_340, %scan3A_109 : i32
      %add3A_342 = arith.constant 1 : i32
      %add3A_343 = arith.addi %mul3A_341, %add3A_342 : i32
      %add3A_344 = arith.constant 1 : i32
      %add3A_345 = arith.addi %add3A_343, %add3A_344 : i32
      %lt3A_346 = arith.constant 400 : i32
      %lt3A_347 = arith.cmpi slt, %add3A_345, %lt3A_346 : i32
      %convert_element_type3A_348 = arith.extui %lt3A_347 : i1 to i32
      %cond3A_349 = arith.constant 0 : i32
      %cond3A_350 = arith.cmpi ne, %convert_element_type3A_348, %cond3A_349 : i32
      scf.if %cond3A_350 {
        %add3A_579 = arith.constant 1 : i32
        %add3A_580 = arith.addi %add3A_343, %add3A_579 : i32
        %jit3A_581 = arith.constant 16 : i32
        %eq3A_582 = arith.constant 0 : i32
        %eq3A_583 = arith.cmpi eq, %jit3A_581, %eq3A_582 : i32
        %jit3A_584 = arith.constant 1 : i32
        %select_n3A_585 = arith.select %eq3A_583, %jit3A_584, %jit3A_581 : i32
        %rem3A_586 = arith.remsi %add3A_580, %select_n3A_585 : i32
        %ne3A_587 = arith.constant 0 : i32
        %ne3A_588 = arith.cmpi ne, %rem3A_586, %ne3A_587 : i32
        %lt3A_589 = arith.constant 0 : i32
        %lt3A_590 = arith.cmpi slt, %rem3A_586, %lt3A_589 : i32
        %lt3A_591 = arith.constant 0 : i32
        %lt3A_592 = arith.cmpi slt, %select_n3A_585, %lt3A_591 : i32
        %ne3A_593 = arith.xori %lt3A_590, %lt3A_592 : i1
        %and3A_594 = arith.andi %ne3A_593, %ne3A_588 : i1
        %add3A_595 = arith.addi %rem3A_586, %select_n3A_585 : i32
        %select_n3A_596 = arith.select %and3A_594, %add3A_595, %rem3A_586 : i32
        %eq3A_597 = arith.constant 0 : i32
        %eq3A_598 = arith.cmpi eq, %select_n3A_596, %eq3A_597 : i32
        %add3A_599 = arith.constant 1 : i32
        %add3A_600 = arith.addi %add3A_343, %add3A_599 : i32
        %jit3A_601 = arith.constant 16 : i32
        %div3A_602 = arith.divsi %add3A_600, %jit3A_601 : i32
        %sign3A_603 = arith.constant 0 : i32
        %sign3A_604 = arith.cmpi sgt, %add3A_600, %sign3A_603 : i32
        %sign3A_605 = arith.extui %sign3A_604 : i1 to i32
        %sign3A_606 = arith.constant 0 : i32
        %sign3A_607 = arith.cmpi slt, %add3A_600, %sign3A_606 : i32
        %sign3A_608 = arith.extui %sign3A_607 : i1 to i32
        %sign3A_609 = arith.subi %sign3A_605, %sign3A_608 : i32
        %sign3A_610 = arith.constant 0 : i32
        %sign3A_611 = arith.cmpi sgt, %jit3A_601, %sign3A_610 : i32
        %sign3A_612 = arith.extui %sign3A_611 : i1 to i32
        %sign3A_613 = arith.constant 0 : i32
        %sign3A_614 = arith.cmpi slt, %jit3A_601, %sign3A_613 : i32
        %sign3A_615 = arith.extui %sign3A_614 : i1 to i32
        %sign3A_616 = arith.subi %sign3A_612, %sign3A_615 : i32
        %ne3A_617 = arith.cmpi ne, %sign3A_609, %sign3A_616 : i32
        %rem3A_618 = arith.remsi %add3A_600, %jit3A_601 : i32
        %ne3A_619 = arith.constant 0 : i32
        %ne3A_620 = arith.cmpi ne, %rem3A_618, %ne3A_619 : i32
        %and3A_621 = arith.andi %ne3A_617, %ne3A_620 : i1
        %sub3A_622 = arith.constant 1 : i32
        %sub3A_623 = arith.subi %div3A_602, %sub3A_622 : i32
        %select_n3A_624 = arith.select %and3A_621, %sub3A_623, %div3A_602 : i32
        %jit3A_625 = arith.constant 2 : i32
        %eq3A_626 = arith.constant 0 : i32
        %eq3A_627 = arith.cmpi eq, %jit3A_625, %eq3A_626 : i32
        %jit3A_628 = arith.constant 1 : i32
        %select_n3A_629 = arith.select %eq3A_627, %jit3A_628, %jit3A_625 : i32
        %rem3A_630 = arith.remsi %select_n3A_624, %select_n3A_629 : i32
        %ne3A_631 = arith.constant 0 : i32
        %ne3A_632 = arith.cmpi ne, %rem3A_630, %ne3A_631 : i32
        %lt3A_633 = arith.constant 0 : i32
        %lt3A_634 = arith.cmpi slt, %rem3A_630, %lt3A_633 : i32
        %lt3A_635 = arith.constant 0 : i32
        %lt3A_636 = arith.cmpi slt, %select_n3A_629, %lt3A_635 : i32
        %ne3A_637 = arith.xori %lt3A_634, %lt3A_636 : i1
        %and3A_638 = arith.andi %ne3A_637, %ne3A_632 : i1
        %add3A_639 = arith.addi %rem3A_630, %select_n3A_629 : i32
        %select_n3A_640 = arith.select %and3A_638, %add3A_639, %rem3A_630 : i32
        %eq3A_641 = arith.constant 0 : i32
        %eq3A_642 = arith.cmpi eq, %select_n3A_640, %eq3A_641 : i32
        %and3A_643 = arith.andi %eq3A_598, %eq3A_642 : i1
        %convert_element_type3A_644 = arith.extui %and3A_643 : i1 to i32
        %cond3A_645 = arith.constant 0 : i32
        %cond3A_646 = arith.cmpi ne, %convert_element_type3A_644, %cond3A_645 : i32
        scf.if %cond3A_646 {
          %dma_wait3A_805 = arith.constant 0 : i32
          %dma_wait3A_806 = arith.constant 0 : i32
          %dma_wait3A_807 = arith.constant 0 : i32
          %dma_wait3A_808 = tpu.memref_slice %arg5[%dma_wait3A_805, %dma_wait3A_806, %dma_wait3A_807] : memref<2x32x128xi32, #tpu.memory_space<vmem>> -> memref<1x32x128xi32, #tpu.memory_space<vmem>>
          %dma_wait3A_809 = tpu.memref_squeeze %dma_wait3A_808 : memref<1x32x128xi32, #tpu.memory_space<vmem>> -> memref<32x128xi32, #tpu.memory_space<vmem>>
          %dma_wait3A_810 = arith.constant 0 : i32
          %dma_wait3A_811 = arith.constant 0 : i32
          %dma_wait3A_812 = tpu.memref_slice %arg2[%dma_wait3A_810, %dma_wait3A_811] : memref<25600x128xi32, #tpu.memory_space<hbm>> -> memref<32x128xi32, #tpu.memory_space<hbm>>
          %dma_wait3A_813 = arith.constant 0 : i32
          %dma_wait3A_814 = arith.constant 0 : i32
          %dma_wait3A_815 = tpu.memref_slice %arg5[%dma_wait3A_805, %dma_wait3A_813, %dma_wait3A_814] : memref<2x32x128xi32, #tpu.memory_space<vmem>> -> memref<1x32x128xi32, #tpu.memory_space<vmem>>
          %dma_wait3A_816 = tpu.memref_squeeze %dma_wait3A_815 : memref<1x32x128xi32, #tpu.memory_space<vmem>> -> memref<32x128xi32, #tpu.memory_space<vmem>>
          %dma_wait3A_817 = arith.constant 0 : i32
          %dma_wait3A_818 = arith.constant 0 : i32
          %dma_wait3A_819 = tpu.memref_slice %arg2[%dma_wait3A_817, %dma_wait3A_818] : memref<25600x128xi32, #tpu.memory_space<hbm>> -> memref<32x128xi32, #tpu.memory_space<hbm>>
          tpu.wait_dma2 semaphore(%arg12 : memref<!tpu.dma_semaphore, #tpu.memory_space<semaphore_mem>>) src(%dma_wait3A_819 : memref<32x128xi32, #tpu.memory_space<hbm>>) dst(%dma_wait3A_816 : memref<32x128xi32, #tpu.memory_space<vmem>>)
        } else {
        }
        %add3A_647 = arith.constant 1 : i32
        %add3A_648 = arith.addi %add3A_343, %add3A_647 : i32
        %jit3A_649 = arith.constant 16 : i32
        %eq3A_650 = arith.constant 0 : i32
        %eq3A_651 = arith.cmpi eq, %jit3A_649, %eq3A_650 : i32
        %jit3A_652 = arith.constant 1 : i32
        %select_n3A_653 = arith.select %eq3A_651, %jit3A_652, %jit3A_649 : i32
        %rem3A_654 = arith.remsi %add3A_648, %select_n3A_653 : i32
        %ne3A_655 = arith.constant 0 : i32
        %ne3A_656 = arith.cmpi ne, %rem3A_654, %ne3A_655 : i32
        %lt3A_657 = arith.constant 0 : i32
        %lt3A_658 = arith.cmpi slt, %rem3A_654, %lt3A_657 : i32
        %lt3A_659 = arith.constant 0 : i32
        %lt3A_660 = arith.cmpi slt, %select_n3A_653, %lt3A_659 : i32
        %ne3A_661 = arith.xori %lt3A_658, %lt3A_660 : i1
        %and3A_662 = arith.andi %ne3A_661, %ne3A_656 : i1
        %add3A_663 = arith.addi %rem3A_654, %select_n3A_653 : i32
        %select_n3A_664 = arith.select %and3A_662, %add3A_663, %rem3A_654 : i32
        %eq3A_665 = arith.constant 0 : i32
        %eq3A_666 = arith.cmpi eq, %select_n3A_664, %eq3A_665 : i32
        %add3A_667 = arith.constant 1 : i32
        %add3A_668 = arith.addi %add3A_343, %add3A_667 : i32
        %jit3A_669 = arith.constant 16 : i32
        %div3A_670 = arith.divsi %add3A_668, %jit3A_669 : i32
        %sign3A_671 = arith.constant 0 : i32
        %sign3A_672 = arith.cmpi sgt, %add3A_668, %sign3A_671 : i32
        %sign3A_673 = arith.extui %sign3A_672 : i1 to i32
        %sign3A_674 = arith.constant 0 : i32
        %sign3A_675 = arith.cmpi slt, %add3A_668, %sign3A_674 : i32
        %sign3A_676 = arith.extui %sign3A_675 : i1 to i32
        %sign3A_677 = arith.subi %sign3A_673, %sign3A_676 : i32
        %sign3A_678 = arith.constant 0 : i32
        %sign3A_679 = arith.cmpi sgt, %jit3A_669, %sign3A_678 : i32
        %sign3A_680 = arith.extui %sign3A_679 : i1 to i32
        %sign3A_681 = arith.constant 0 : i32
        %sign3A_682 = arith.cmpi slt, %jit3A_669, %sign3A_681 : i32
        %sign3A_683 = arith.extui %sign3A_682 : i1 to i32
        %sign3A_684 = arith.subi %sign3A_680, %sign3A_683 : i32
        %ne3A_685 = arith.cmpi ne, %sign3A_677, %sign3A_684 : i32
        %rem3A_686 = arith.remsi %add3A_668, %jit3A_669 : i32
        %ne3A_687 = arith.constant 0 : i32
        %ne3A_688 = arith.cmpi ne, %rem3A_686, %ne3A_687 : i32
        %and3A_689 = arith.andi %ne3A_685, %ne3A_688 : i1
        %sub3A_690 = arith.constant 1 : i32
        %sub3A_691 = arith.subi %div3A_670, %sub3A_690 : i32
        %select_n3A_692 = arith.select %and3A_689, %sub3A_691, %div3A_670 : i32
        %jit3A_693 = arith.constant 2 : i32
        %eq3A_694 = arith.constant 0 : i32
        %eq3A_695 = arith.cmpi eq, %jit3A_693, %eq3A_694 : i32
        %jit3A_696 = arith.constant 1 : i32
        %select_n3A_697 = arith.select %eq3A_695, %jit3A_696, %jit3A_693 : i32
        %rem3A_698 = arith.remsi %select_n3A_692, %select_n3A_697 : i32
        %ne3A_699 = arith.constant 0 : i32
        %ne3A_700 = arith.cmpi ne, %rem3A_698, %ne3A_699 : i32
        %lt3A_701 = arith.constant 0 : i32
        %lt3A_702 = arith.cmpi slt, %rem3A_698, %lt3A_701 : i32
        %lt3A_703 = arith.constant 0 : i32
        %lt3A_704 = arith.cmpi slt, %select_n3A_697, %lt3A_703 : i32
        %ne3A_705 = arith.xori %lt3A_702, %lt3A_704 : i1
        %and3A_706 = arith.andi %ne3A_705, %ne3A_700 : i1
        %add3A_707 = arith.addi %rem3A_698, %select_n3A_697 : i32
        %select_n3A_708 = arith.select %and3A_706, %add3A_707, %rem3A_698 : i32
        %eq3A_709 = arith.constant 1 : i32
        %eq3A_710 = arith.cmpi eq, %select_n3A_708, %eq3A_709 : i32
        %and3A_711 = arith.andi %eq3A_666, %eq3A_710 : i1
        %convert_element_type3A_712 = arith.extui %and3A_711 : i1 to i32
        %cond3A_713 = arith.constant 0 : i32
        %cond3A_714 = arith.cmpi ne, %convert_element_type3A_712, %cond3A_713 : i32
        scf.if %cond3A_714 {
          %dma_wait3A_805 = arith.constant 1 : i32
          %dma_wait3A_806 = arith.constant 0 : i32
          %dma_wait3A_807 = arith.constant 0 : i32
          %dma_wait3A_808 = tpu.memref_slice %arg5[%dma_wait3A_805, %dma_wait3A_806, %dma_wait3A_807] : memref<2x32x128xi32, #tpu.memory_space<vmem>> -> memref<1x32x128xi32, #tpu.memory_space<vmem>>
          %dma_wait3A_809 = tpu.memref_squeeze %dma_wait3A_808 : memref<1x32x128xi32, #tpu.memory_space<vmem>> -> memref<32x128xi32, #tpu.memory_space<vmem>>
          %dma_wait3A_810 = arith.constant 0 : i32
          %dma_wait3A_811 = arith.constant 0 : i32
          %dma_wait3A_812 = tpu.memref_slice %arg2[%dma_wait3A_810, %dma_wait3A_811] : memref<25600x128xi32, #tpu.memory_space<hbm>> -> memref<32x128xi32, #tpu.memory_space<hbm>>
          %dma_wait3A_813 = arith.constant 0 : i32
          %dma_wait3A_814 = arith.constant 0 : i32
          %dma_wait3A_815 = tpu.memref_slice %arg5[%dma_wait3A_805, %dma_wait3A_813, %dma_wait3A_814] : memref<2x32x128xi32, #tpu.memory_space<vmem>> -> memref<1x32x128xi32, #tpu.memory_space<vmem>>
          %dma_wait3A_816 = tpu.memref_squeeze %dma_wait3A_815 : memref<1x32x128xi32, #tpu.memory_space<vmem>> -> memref<32x128xi32, #tpu.memory_space<vmem>>
          %dma_wait3A_817 = arith.constant 0 : i32
          %dma_wait3A_818 = arith.constant 0 : i32
          %dma_wait3A_819 = tpu.memref_slice %arg2[%dma_wait3A_817, %dma_wait3A_818] : memref<25600x128xi32, #tpu.memory_space<hbm>> -> memref<32x128xi32, #tpu.memory_space<hbm>>
          tpu.wait_dma2 semaphore(%arg13 : memref<!tpu.dma_semaphore, #tpu.memory_space<semaphore_mem>>) src(%dma_wait3A_819 : memref<32x128xi32, #tpu.memory_space<hbm>>) dst(%dma_wait3A_816 : memref<32x128xi32, #tpu.memory_space<vmem>>)
        } else {
        }
        %ge3A = arith.constant 1 : i32
        %ge3A_715 = arith.cmpi sge, %add3A_343, %ge3A : i32
        %convert_element_type3A_716 = arith.extui %ge3A_715 : i1 to i32
        %cond3A_717 = arith.constant 0 : i32
        %cond3A_718 = arith.cmpi ne, %convert_element_type3A_716, %cond3A_717 : i32
        scf.if %cond3A_718 {
          %dma_wait3A_805 = arith.constant 0 : i32
          %dma_wait3A_806 = arith.constant 0 : i32
          %dma_wait3A_807 = arith.constant 0 : i32
          %dma_wait3A_808 = tpu.memref_slice %arg6[%dma_wait3A_805, %dma_wait3A_806, %dma_wait3A_807] : memref<2x256x128xf32, #tpu.memory_space<vmem>> -> memref<1x256x128xf32, #tpu.memory_space<vmem>>
          %dma_wait3A_809 = tpu.memref_squeeze %dma_wait3A_808 : memref<1x256x128xf32, #tpu.memory_space<vmem>> -> memref<256x128xf32, #tpu.memory_space<vmem>>
          %dma_wait3A_810 = arith.constant 0 : i32
          %dma_wait3A_811 = tpu.memref_slice %arg4[%mul3A_2, %dma_wait3A_810] : memref<3276800x128xf32, #tpu.memory_space<hbm>> -> memref<256x128xf32, #tpu.memory_space<hbm>>
          %dma_wait3A_812 = arith.constant 0 : i32
          %dma_wait3A_813 = tpu.memref_slice %arg4[%mul3A_2, %dma_wait3A_812] : memref<3276800x128xf32, #tpu.memory_space<hbm>> -> memref<256x128xf32, #tpu.memory_space<hbm>>
          %dma_wait3A_814 = arith.constant 0 : i32
          %dma_wait3A_815 = arith.constant 0 : i32
          %dma_wait3A_816 = tpu.memref_slice %arg6[%dma_wait3A_805, %dma_wait3A_814, %dma_wait3A_815] : memref<2x256x128xf32, #tpu.memory_space<vmem>> -> memref<1x256x128xf32, #tpu.memory_space<vmem>>
          %dma_wait3A_817 = tpu.memref_squeeze %dma_wait3A_816 : memref<1x256x128xf32, #tpu.memory_space<vmem>> -> memref<256x128xf32, #tpu.memory_space<vmem>>
          tpu.wait_dma2 semaphore(%arg10 : memref<!tpu.dma_semaphore, #tpu.memory_space<semaphore_mem>>) src(%dma_wait3A_817 : memref<256x128xf32, #tpu.memory_space<vmem>>) dst(%dma_wait3A_813 : memref<256x128xf32, #tpu.memory_space<hbm>>)
        } else {
        }
        %add3A_719 = arith.constant 1 : i32
        %add3A_720 = arith.addi %add3A_343, %add3A_719 : i32
        %jit3A_721 = arith.constant 16 : i32
        %div3A_722 = arith.divsi %add3A_720, %jit3A_721 : i32
        %sign3A_723 = arith.constant 0 : i32
        %sign3A_724 = arith.cmpi sgt, %add3A_720, %sign3A_723 : i32
        %sign3A_725 = arith.extui %sign3A_724 : i1 to i32
        %sign3A_726 = arith.constant 0 : i32
        %sign3A_727 = arith.cmpi slt, %add3A_720, %sign3A_726 : i32
        %sign3A_728 = arith.extui %sign3A_727 : i1 to i32
        %sign3A_729 = arith.subi %sign3A_725, %sign3A_728 : i32
        %sign3A_730 = arith.constant 0 : i32
        %sign3A_731 = arith.cmpi sgt, %jit3A_721, %sign3A_730 : i32
        %sign3A_732 = arith.extui %sign3A_731 : i1 to i32
        %sign3A_733 = arith.constant 0 : i32
        %sign3A_734 = arith.cmpi slt, %jit3A_721, %sign3A_733 : i32
        %sign3A_735 = arith.extui %sign3A_734 : i1 to i32
        %sign3A_736 = arith.subi %sign3A_732, %sign3A_735 : i32
        %ne3A_737 = arith.cmpi ne, %sign3A_729, %sign3A_736 : i32
        %rem3A_738 = arith.remsi %add3A_720, %jit3A_721 : i32
        %ne3A_739 = arith.constant 0 : i32
        %ne3A_740 = arith.cmpi ne, %rem3A_738, %ne3A_739 : i32
        %and3A_741 = arith.andi %ne3A_737, %ne3A_740 : i1
        %sub3A_742 = arith.constant 1 : i32
        %sub3A_743 = arith.subi %div3A_722, %sub3A_742 : i32
        %select_n3A_744 = arith.select %and3A_741, %sub3A_743, %div3A_722 : i32
        %jit3A_745 = arith.constant 2 : i32
        %eq3A_746 = arith.constant 0 : i32
        %eq3A_747 = arith.cmpi eq, %jit3A_745, %eq3A_746 : i32
        %jit3A_748 = arith.constant 1 : i32
        %select_n3A_749 = arith.select %eq3A_747, %jit3A_748, %jit3A_745 : i32
        %rem3A_750 = arith.remsi %select_n3A_744, %select_n3A_749 : i32
        %ne3A_751 = arith.constant 0 : i32
        %ne3A_752 = arith.cmpi ne, %rem3A_750, %ne3A_751 : i32
        %lt3A_753 = arith.constant 0 : i32
        %lt3A_754 = arith.cmpi slt, %rem3A_750, %lt3A_753 : i32
        %lt3A_755 = arith.constant 0 : i32
        %lt3A_756 = arith.cmpi slt, %select_n3A_749, %lt3A_755 : i32
        %ne3A_757 = arith.xori %lt3A_754, %lt3A_756 : i1
        %and3A_758 = arith.andi %ne3A_757, %ne3A_752 : i1
        %add3A_759 = arith.addi %rem3A_750, %select_n3A_749 : i32
        %select_n3A_760 = arith.select %and3A_758, %add3A_759, %rem3A_750 : i32
        %jit3A_761 = arith.constant 16 : i32
        %eq3A_762 = arith.constant 0 : i32
        %eq3A_763 = arith.cmpi eq, %jit3A_761, %eq3A_762 : i32
        %jit3A_764 = arith.constant 1 : i32
        %select_n3A_765 = arith.select %eq3A_763, %jit3A_764, %jit3A_761 : i32
        %rem3A_766 = arith.remsi %add3A_720, %select_n3A_765 : i32
        %ne3A_767 = arith.constant 0 : i32
        %ne3A_768 = arith.cmpi ne, %rem3A_766, %ne3A_767 : i32
        %lt3A_769 = arith.constant 0 : i32
        %lt3A_770 = arith.cmpi slt, %rem3A_766, %lt3A_769 : i32
        %lt3A_771 = arith.constant 0 : i32
        %lt3A_772 = arith.cmpi slt, %select_n3A_765, %lt3A_771 : i32
        %ne3A_773 = arith.xori %lt3A_770, %lt3A_772 : i1
        %and3A_774 = arith.andi %ne3A_773, %ne3A_768 : i1
        %add3A_775 = arith.addi %rem3A_766, %select_n3A_765 : i32
        %select_n3A_776 = arith.select %and3A_774, %add3A_775, %rem3A_766 : i32
        %mul3A_777 = arith.constant 2 : i32
        %mul3A_778 = arith.muli %select_n3A_776, %mul3A_777 : i32
        %add3A_779 = arith.constant 0 : i32
        %add3A_780 = arith.addi %mul3A_778, %add3A_779 : i32
        %dma_start3A_781 = arith.constant 0 : i32
        %dma_start3A_782 = arith.constant 0 : i32
        %dma_start3A_783 = arith.constant 0 : i32
        %dma_start3A_784 = tpu.memref_slice %arg6[%dma_start3A_781, %dma_start3A_782, %dma_start3A_783] : memref<2x256x128xf32, #tpu.memory_space<vmem>> -> memref<1x128x128xf32, #tpu.memory_space<vmem>>
        %dma_start3A_785 = tpu.memref_squeeze %dma_start3A_784 : memref<1x128x128xf32, #tpu.memory_space<vmem>> -> memref<128x128xf32, #tpu.memory_space<vmem>>
        %dma_start3A_786 = arith.constant 0 : i32
        %dma_start3A_787 = tpu.memref_slice %arg5[%select_n3A_760, %add3A_780, %dma_start3A_786] : memref<2x32x128xi32, #tpu.memory_space<vmem>> -> memref<1x1x128xi32, #tpu.memory_space<vmem>>
        %dma_start3A_788 = tpu.memref_squeeze %dma_start3A_787 : memref<1x1x128xi32, #tpu.memory_space<vmem>> -> memref<128xi32, #tpu.memory_space<vmem>>
        %dma_start3A_789 = arith.constant 0 : i32
        %dma_start3A_790 = arith.constant 0 : i32
        %dma_start3A_791 = tpu.memref_slice %arg7[%dma_start3A_789, %dma_start3A_790] : memref<122x128xf32, #tpu.memory_space<vmem_shared>> -> memref<122x128xf32, #tpu.memory_space<vmem_shared>>
        tpu.enqueue_indirect_dma source(%dma_start3A_791 : memref<122x128xf32, #tpu.memory_space<vmem_shared>>) target(%dma_start3A_785 : memref<128x128xf32, #tpu.memory_space<vmem>>) offsets(%dma_start3A_788 : memref<128xi32, #tpu.memory_space<vmem>>) semaphore(%arg8 : memref<!tpu.dma_semaphore, #tpu.memory_space<semaphore_mem>>)
        %add3A_792 = arith.constant 1 : i32
        %add3A_793 = arith.addi %mul3A_778, %add3A_792 : i32
        %dma_start3A_794 = arith.constant 0 : i32
        %dma_start3A_795 = arith.constant 128 : i32
        %dma_start3A_796 = arith.constant 0 : i32
        %dma_start3A_797 = tpu.memref_slice %arg6[%dma_start3A_794, %dma_start3A_795, %dma_start3A_796] : memref<2x256x128xf32, #tpu.memory_space<vmem>> -> memref<1x128x128xf32, #tpu.memory_space<vmem>>
        %dma_start3A_798 = tpu.memref_squeeze %dma_start3A_797 : memref<1x128x128xf32, #tpu.memory_space<vmem>> -> memref<128x128xf32, #tpu.memory_space<vmem>>
        %dma_start3A_799 = arith.constant 0 : i32
        %dma_start3A_800 = tpu.memref_slice %arg5[%select_n3A_760, %add3A_793, %dma_start3A_799] : memref<2x32x128xi32, #tpu.memory_space<vmem>> -> memref<1x1x128xi32, #tpu.memory_space<vmem>>
        %dma_start3A_801 = tpu.memref_squeeze %dma_start3A_800 : memref<1x1x128xi32, #tpu.memory_space<vmem>> -> memref<128xi32, #tpu.memory_space<vmem>>
        %dma_start3A_802 = arith.constant 0 : i32
        %dma_start3A_803 = arith.constant 0 : i32
        %dma_start3A_804 = tpu.memref_slice %arg7[%dma_start3A_802, %dma_start3A_803] : memref<122x128xf32, #tpu.memory_space<vmem_shared>> -> memref<122x128xf32, #tpu.memory_space<vmem_shared>>
        tpu.enqueue_indirect_dma source(%dma_start3A_804 : memref<122x128xf32, #tpu.memory_space<vmem_shared>>) target(%dma_start3A_798 : memref<128x128xf32, #tpu.memory_space<vmem>>) offsets(%dma_start3A_801 : memref<128xi32, #tpu.memory_space<vmem>>) semaphore(%arg8 : memref<!tpu.dma_semaphore, #tpu.memory_space<semaphore_mem>>)
      } else {
      }
      %dma_wait3A_351 = arith.constant 0 : i32
      %dma_wait3A_352 = arith.constant 0 : i32
      %dma_wait3A_353 = arith.constant 1 : i32
      %dma_wait3A_354 = arith.constant 0 : i32
      %dma_wait3A_355 = arith.constant 0 : i32
      %dma_wait3A_356 = tpu.memref_slice %arg6[%dma_wait3A_353, %dma_wait3A_354, %dma_wait3A_355] : memref<2x256x128xf32, #tpu.memory_space<vmem>> -> memref<1x128x128xf32, #tpu.memory_space<vmem>>
      %dma_wait3A_357 = tpu.memref_squeeze %dma_wait3A_356 : memref<1x128x128xf32, #tpu.memory_space<vmem>> -> memref<128x128xf32, #tpu.memory_space<vmem>>
      %dma_wait3A_358 = arith.constant 0 : i32
      %dma_wait3A_359 = tpu.memref_slice %arg5[%dma_wait3A_351, %dma_wait3A_352, %dma_wait3A_358] : memref<2x32x128xi32, #tpu.memory_space<vmem>> -> memref<1x1x128xi32, #tpu.memory_space<vmem>>
      %dma_wait3A_360 = tpu.memref_squeeze %dma_wait3A_359 : memref<1x1x128xi32, #tpu.memory_space<vmem>> -> memref<128xi32, #tpu.memory_space<vmem>>
      %dma_wait3A_361 = arith.constant 0 : i32
      %dma_wait3A_362 = arith.constant 0 : i32
      %dma_wait3A_363 = tpu.memref_slice %arg7[%dma_wait3A_361, %dma_wait3A_362] : memref<122x128xf32, #tpu.memory_space<vmem_shared>> -> memref<122x128xf32, #tpu.memory_space<vmem_shared>>
      tpu.wait_indirect_dma semaphore(%arg9 : memref<!tpu.dma_semaphore, #tpu.memory_space<semaphore_mem>>) src(%dma_wait3A_363 : memref<122x128xf32, #tpu.memory_space<vmem_shared>>) dst(%dma_wait3A_357 : memref<128x128xf32, #tpu.memory_space<vmem>>)
      %dma_wait3A_364 = arith.constant 0 : i32
      %dma_wait3A_365 = arith.constant 1 : i32
      %dma_wait3A_366 = arith.constant 1 : i32
      %dma_wait3A_367 = arith.constant 128 : i32
      %dma_wait3A_368 = arith.constant 0 : i32
      %dma_wait3A_369 = tpu.memref_slice %arg6[%dma_wait3A_366, %dma_wait3A_367, %dma_wait3A_368] : memref<2x256x128xf32, #tpu.memory_space<vmem>> -> memref<1x128x128xf32, #tpu.memory_space<vmem>>
      %dma_wait3A_370 = tpu.memref_squeeze %dma_wait3A_369 : memref<1x128x128xf32, #tpu.memory_space<vmem>> -> memref<128x128xf32, #tpu.memory_space<vmem>>
      %dma_wait3A_371 = arith.constant 0 : i32
      %dma_wait3A_372 = tpu.memref_slice %arg5[%dma_wait3A_364, %dma_wait3A_365, %dma_wait3A_371] : memref<2x32x128xi32, #tpu.memory_space<vmem>> -> memref<1x1x128xi32, #tpu.memory_space<vmem>>
      %dma_wait3A_373 = tpu.memref_squeeze %dma_wait3A_372 : memref<1x1x128xi32, #tpu.memory_space<vmem>> -> memref<128xi32, #tpu.memory_space<vmem>>
      %dma_wait3A_374 = arith.constant 0 : i32
      %dma_wait3A_375 = arith.constant 0 : i32
      %dma_wait3A_376 = tpu.memref_slice %arg7[%dma_wait3A_374, %dma_wait3A_375] : memref<122x128xf32, #tpu.memory_space<vmem_shared>> -> memref<122x128xf32, #tpu.memory_space<vmem_shared>>
      tpu.wait_indirect_dma semaphore(%arg9 : memref<!tpu.dma_semaphore, #tpu.memory_space<semaphore_mem>>) src(%dma_wait3A_376 : memref<122x128xf32, #tpu.memory_space<vmem_shared>>) dst(%dma_wait3A_370 : memref<128x128xf32, #tpu.memory_space<vmem>>)
      %jit3A_377 = arith.constant 16 : i32
      %eq3A_378 = arith.constant 0 : i32
      %eq3A_379 = arith.cmpi eq, %jit3A_377, %eq3A_378 : i32
      %jit3A_380 = arith.constant 1 : i32
      %select_n3A_381 = arith.select %eq3A_379, %jit3A_380, %jit3A_377 : i32
      %rem3A_382 = arith.remsi %add3A_343, %select_n3A_381 : i32
      %ne3A_383 = arith.constant 0 : i32
      %ne3A_384 = arith.cmpi ne, %rem3A_382, %ne3A_383 : i32
      %lt3A_385 = arith.constant 0 : i32
      %lt3A_386 = arith.cmpi slt, %rem3A_382, %lt3A_385 : i32
      %lt3A_387 = arith.constant 0 : i32
      %lt3A_388 = arith.cmpi slt, %select_n3A_381, %lt3A_387 : i32
      %ne3A_389 = arith.xori %lt3A_386, %lt3A_388 : i1
      %and3A_390 = arith.andi %ne3A_389, %ne3A_384 : i1
      %add3A_391 = arith.addi %rem3A_382, %select_n3A_381 : i32
      %select_n3A_392 = arith.select %and3A_390, %add3A_391, %rem3A_382 : i32
      %eq3A_393 = arith.constant 15 : i32
      %eq3A_394 = arith.cmpi eq, %select_n3A_392, %eq3A_393 : i32
      %jit3A_395 = arith.constant 16 : i32
      %div3A_396 = arith.divsi %add3A_343, %jit3A_395 : i32
      %sign3A_397 = arith.constant 0 : i32
      %sign3A_398 = arith.cmpi sgt, %add3A_343, %sign3A_397 : i32
      %sign3A_399 = arith.extui %sign3A_398 : i1 to i32
      %sign3A_400 = arith.constant 0 : i32
      %sign3A_401 = arith.cmpi slt, %add3A_343, %sign3A_400 : i32
      %sign3A_402 = arith.extui %sign3A_401 : i1 to i32
      %sign3A_403 = arith.subi %sign3A_399, %sign3A_402 : i32
      %sign3A_404 = arith.constant 0 : i32
      %sign3A_405 = arith.cmpi sgt, %jit3A_395, %sign3A_404 : i32
      %sign3A_406 = arith.extui %sign3A_405 : i1 to i32
      %sign3A_407 = arith.constant 0 : i32
      %sign3A_408 = arith.cmpi slt, %jit3A_395, %sign3A_407 : i32
      %sign3A_409 = arith.extui %sign3A_408 : i1 to i32
      %sign3A_410 = arith.subi %sign3A_406, %sign3A_409 : i32
      %ne3A_411 = arith.cmpi ne, %sign3A_403, %sign3A_410 : i32
      %rem3A_412 = arith.remsi %add3A_343, %jit3A_395 : i32
      %ne3A_413 = arith.constant 0 : i32
      %ne3A_414 = arith.cmpi ne, %rem3A_412, %ne3A_413 : i32
      %and3A_415 = arith.andi %ne3A_411, %ne3A_414 : i1
      %sub3A_416 = arith.constant 1 : i32
      %sub3A_417 = arith.subi %div3A_396, %sub3A_416 : i32
      %select_n3A_418 = arith.select %and3A_415, %sub3A_417, %div3A_396 : i32
      %add3A_419 = arith.constant 2 : i32
      %add3A_420 = arith.addi %select_n3A_418, %add3A_419 : i32
      %lt3A_421 = arith.constant 25 : i32
      %lt3A_422 = arith.cmpi slt, %add3A_420, %lt3A_421 : i32
      %and3A_423 = arith.andi %eq3A_394, %lt3A_422 : i1
      %jit3A_424 = arith.constant 16 : i32
      %div3A_425 = arith.divsi %add3A_343, %jit3A_424 : i32
      %sign3A_426 = arith.constant 0 : i32
      %sign3A_427 = arith.cmpi sgt, %add3A_343, %sign3A_426 : i32
      %sign3A_428 = arith.extui %sign3A_427 : i1 to i32
      %sign3A_429 = arith.constant 0 : i32
      %sign3A_430 = arith.cmpi slt, %add3A_343, %sign3A_429 : i32
      %sign3A_431 = arith.extui %sign3A_430 : i1 to i32
      %sign3A_432 = arith.subi %sign3A_428, %sign3A_431 : i32
      %sign3A_433 = arith.constant 0 : i32
      %sign3A_434 = arith.cmpi sgt, %jit3A_424, %sign3A_433 : i32
      %sign3A_435 = arith.extui %sign3A_434 : i1 to i32
      %sign3A_436 = arith.constant 0 : i32
      %sign3A_437 = arith.cmpi slt, %jit3A_424, %sign3A_436 : i32
      %sign3A_438 = arith.extui %sign3A_437 : i1 to i32
      %sign3A_439 = arith.subi %sign3A_435, %sign3A_438 : i32
      %ne3A_440 = arith.cmpi ne, %sign3A_432, %sign3A_439 : i32
      %rem3A_441 = arith.remsi %add3A_343, %jit3A_424 : i32
      %ne3A_442 = arith.constant 0 : i32
      %ne3A_443 = arith.cmpi ne, %rem3A_441, %ne3A_442 : i32
      %and3A_444 = arith.andi %ne3A_440, %ne3A_443 : i1
      %sub3A_445 = arith.constant 1 : i32
      %sub3A_446 = arith.subi %div3A_425, %sub3A_445 : i32
      %select_n3A_447 = arith.select %and3A_444, %sub3A_446, %div3A_425 : i32
      %jit3A_448 = arith.constant 2 : i32
      %eq3A_449 = arith.constant 0 : i32
      %eq3A_450 = arith.cmpi eq, %jit3A_448, %eq3A_449 : i32
      %jit3A_451 = arith.constant 1 : i32
      %select_n3A_452 = arith.select %eq3A_450, %jit3A_451, %jit3A_448 : i32
      %rem3A_453 = arith.remsi %select_n3A_447, %select_n3A_452 : i32
      %ne3A_454 = arith.constant 0 : i32
      %ne3A_455 = arith.cmpi ne, %rem3A_453, %ne3A_454 : i32
      %lt3A_456 = arith.constant 0 : i32
      %lt3A_457 = arith.cmpi slt, %rem3A_453, %lt3A_456 : i32
      %lt3A_458 = arith.constant 0 : i32
      %lt3A_459 = arith.cmpi slt, %select_n3A_452, %lt3A_458 : i32
      %ne3A_460 = arith.xori %lt3A_457, %lt3A_459 : i1
      %and3A_461 = arith.andi %ne3A_460, %ne3A_455 : i1
      %add3A_462 = arith.addi %rem3A_453, %select_n3A_452 : i32
      %select_n3A_463 = arith.select %and3A_461, %add3A_462, %rem3A_453 : i32
      %eq3A_464 = arith.constant 0 : i32
      %eq3A_465 = arith.cmpi eq, %select_n3A_463, %eq3A_464 : i32
      %and3A_466 = arith.andi %and3A_423, %eq3A_465 : i1
      %convert_element_type3A_467 = arith.extui %and3A_466 : i1 to i32
      %cond3A_468 = arith.constant 0 : i32
      %cond3A_469 = arith.cmpi ne, %convert_element_type3A_467, %cond3A_468 : i32
      scf.if %cond3A_469 {
        %jit3A_579 = arith.constant 16 : i32
        %div3A_580 = arith.divsi %add3A_343, %jit3A_579 : i32
        %sign3A_581 = arith.constant 0 : i32
        %sign3A_582 = arith.cmpi sgt, %add3A_343, %sign3A_581 : i32
        %sign3A_583 = arith.extui %sign3A_582 : i1 to i32
        %sign3A_584 = arith.constant 0 : i32
        %sign3A_585 = arith.cmpi slt, %add3A_343, %sign3A_584 : i32
        %sign3A_586 = arith.extui %sign3A_585 : i1 to i32
        %sign3A_587 = arith.subi %sign3A_583, %sign3A_586 : i32
        %sign3A_588 = arith.constant 0 : i32
        %sign3A_589 = arith.cmpi sgt, %jit3A_579, %sign3A_588 : i32
        %sign3A_590 = arith.extui %sign3A_589 : i1 to i32
        %sign3A_591 = arith.constant 0 : i32
        %sign3A_592 = arith.cmpi slt, %jit3A_579, %sign3A_591 : i32
        %sign3A_593 = arith.extui %sign3A_592 : i1 to i32
        %sign3A_594 = arith.subi %sign3A_590, %sign3A_593 : i32
        %ne3A_595 = arith.cmpi ne, %sign3A_587, %sign3A_594 : i32
        %rem3A_596 = arith.remsi %add3A_343, %jit3A_579 : i32
        %ne3A_597 = arith.constant 0 : i32
        %ne3A_598 = arith.cmpi ne, %rem3A_596, %ne3A_597 : i32
        %and3A_599 = arith.andi %ne3A_595, %ne3A_598 : i1
        %sub3A_600 = arith.constant 1 : i32
        %sub3A_601 = arith.subi %div3A_580, %sub3A_600 : i32
        %select_n3A_602 = arith.select %and3A_599, %sub3A_601, %div3A_580 : i32
        %add3A_603 = arith.constant 2 : i32
        %add3A_604 = arith.addi %select_n3A_602, %add3A_603 : i32
        %mul3A_605 = arith.constant 800 : i32
        %mul3A_606 = arith.muli %add3A, %mul3A_605 : i32
        %mul3A_607 = arith.constant 32 : i32
        %mul3A_608 = arith.muli %add3A_604, %mul3A_607 : i32
        %add3A_609 = arith.addi %mul3A_606, %mul3A_608 : i32
        %dma_start3A_610 = arith.constant 0 : i32
        %dma_start3A_611 = arith.constant 0 : i32
        %dma_start3A_612 = arith.constant 0 : i32
        %dma_start3A_613 = tpu.memref_slice %arg5[%dma_start3A_610, %dma_start3A_611, %dma_start3A_612] : memref<2x32x128xi32, #tpu.memory_space<vmem>> -> memref<1x32x128xi32, #tpu.memory_space<vmem>>
        %dma_start3A_614 = tpu.memref_squeeze %dma_start3A_613 : memref<1x32x128xi32, #tpu.memory_space<vmem>> -> memref<32x128xi32, #tpu.memory_space<vmem>>
        %dma_start3A_615 = arith.constant 0 : i32
        %dma_start3A_616 = tpu.memref_slice %arg2[%add3A_609, %dma_start3A_615] : memref<25600x128xi32, #tpu.memory_space<hbm>> -> memref<32x128xi32, #tpu.memory_space<hbm>>
        %dma_start3A_617 = arith.constant 0 : i32
        %dma_start3A_618 = arith.constant 0 : i32
        %dma_start3A_619 = tpu.memref_slice %arg5[%dma_start3A_610, %dma_start3A_617, %dma_start3A_618] : memref<2x32x128xi32, #tpu.memory_space<vmem>> -> memref<1x32x128xi32, #tpu.memory_space<vmem>>
        %dma_start3A_620 = tpu.memref_squeeze %dma_start3A_619 : memref<1x32x128xi32, #tpu.memory_space<vmem>> -> memref<32x128xi32, #tpu.memory_space<vmem>>
        %dma_start3A_621 = arith.constant 0 : i32
        %dma_start3A_622 = tpu.memref_slice %arg2[%add3A_609, %dma_start3A_621] : memref<25600x128xi32, #tpu.memory_space<hbm>> -> memref<32x128xi32, #tpu.memory_space<hbm>>
        tpu.enqueue_dma source(%dma_start3A_622 : memref<32x128xi32, #tpu.memory_space<hbm>>) target(%dma_start3A_620 : memref<32x128xi32, #tpu.memory_space<vmem>>) target_semaphore(%arg12 : memref<!tpu.dma_semaphore, #tpu.memory_space<semaphore_mem>>)
      } else {
      }
      %jit3A_470 = arith.constant 16 : i32
      %eq3A_471 = arith.constant 0 : i32
      %eq3A_472 = arith.cmpi eq, %jit3A_470, %eq3A_471 : i32
      %jit3A_473 = arith.constant 1 : i32
      %select_n3A_474 = arith.select %eq3A_472, %jit3A_473, %jit3A_470 : i32
      %rem3A_475 = arith.remsi %add3A_343, %select_n3A_474 : i32
      %ne3A_476 = arith.constant 0 : i32
      %ne3A_477 = arith.cmpi ne, %rem3A_475, %ne3A_476 : i32
      %lt3A_478 = arith.constant 0 : i32
      %lt3A_479 = arith.cmpi slt, %rem3A_475, %lt3A_478 : i32
      %lt3A_480 = arith.constant 0 : i32
      %lt3A_481 = arith.cmpi slt, %select_n3A_474, %lt3A_480 : i32
      %ne3A_482 = arith.xori %lt3A_479, %lt3A_481 : i1
      %and3A_483 = arith.andi %ne3A_482, %ne3A_477 : i1
      %add3A_484 = arith.addi %rem3A_475, %select_n3A_474 : i32
      %select_n3A_485 = arith.select %and3A_483, %add3A_484, %rem3A_475 : i32
      %eq3A_486 = arith.constant 15 : i32
      %eq3A_487 = arith.cmpi eq, %select_n3A_485, %eq3A_486 : i32
      %jit3A_488 = arith.constant 16 : i32
      %div3A_489 = arith.divsi %add3A_343, %jit3A_488 : i32
      %sign3A_490 = arith.constant 0 : i32
      %sign3A_491 = arith.cmpi sgt, %add3A_343, %sign3A_490 : i32
      %sign3A_492 = arith.extui %sign3A_491 : i1 to i32
      %sign3A_493 = arith.constant 0 : i32
      %sign3A_494 = arith.cmpi slt, %add3A_343, %sign3A_493 : i32
      %sign3A_495 = arith.extui %sign3A_494 : i1 to i32
      %sign3A_496 = arith.subi %sign3A_492, %sign3A_495 : i32
      %sign3A_497 = arith.constant 0 : i32
      %sign3A_498 = arith.cmpi sgt, %jit3A_488, %sign3A_497 : i32
      %sign3A_499 = arith.extui %sign3A_498 : i1 to i32
      %sign3A_500 = arith.constant 0 : i32
      %sign3A_501 = arith.cmpi slt, %jit3A_488, %sign3A_500 : i32
      %sign3A_502 = arith.extui %sign3A_501 : i1 to i32
      %sign3A_503 = arith.subi %sign3A_499, %sign3A_502 : i32
      %ne3A_504 = arith.cmpi ne, %sign3A_496, %sign3A_503 : i32
      %rem3A_505 = arith.remsi %add3A_343, %jit3A_488 : i32
      %ne3A_506 = arith.constant 0 : i32
      %ne3A_507 = arith.cmpi ne, %rem3A_505, %ne3A_506 : i32
      %and3A_508 = arith.andi %ne3A_504, %ne3A_507 : i1
      %sub3A_509 = arith.constant 1 : i32
      %sub3A_510 = arith.subi %div3A_489, %sub3A_509 : i32
      %select_n3A_511 = arith.select %and3A_508, %sub3A_510, %div3A_489 : i32
      %add3A_512 = arith.constant 2 : i32
      %add3A_513 = arith.addi %select_n3A_511, %add3A_512 : i32
      %lt3A_514 = arith.constant 25 : i32
      %lt3A_515 = arith.cmpi slt, %add3A_513, %lt3A_514 : i32
      %and3A_516 = arith.andi %eq3A_487, %lt3A_515 : i1
      %jit3A_517 = arith.constant 16 : i32
      %div3A_518 = arith.divsi %add3A_343, %jit3A_517 : i32
      %sign3A_519 = arith.constant 0 : i32
      %sign3A_520 = arith.cmpi sgt, %add3A_343, %sign3A_519 : i32
      %sign3A_521 = arith.extui %sign3A_520 : i1 to i32
      %sign3A_522 = arith.constant 0 : i32
      %sign3A_523 = arith.cmpi slt, %add3A_343, %sign3A_522 : i32
      %sign3A_524 = arith.extui %sign3A_523 : i1 to i32
      %sign3A_525 = arith.subi %sign3A_521, %sign3A_524 : i32
      %sign3A_526 = arith.constant 0 : i32
      %sign3A_527 = arith.cmpi sgt, %jit3A_517, %sign3A_526 : i32
      %sign3A_528 = arith.extui %sign3A_527 : i1 to i32
      %sign3A_529 = arith.constant 0 : i32
      %sign3A_530 = arith.cmpi slt, %jit3A_517, %sign3A_529 : i32
      %sign3A_531 = arith.extui %sign3A_530 : i1 to i32
      %sign3A_532 = arith.subi %sign3A_528, %sign3A_531 : i32
      %ne3A_533 = arith.cmpi ne, %sign3A_525, %sign3A_532 : i32
      %rem3A_534 = arith.remsi %add3A_343, %jit3A_517 : i32
      %ne3A_535 = arith.constant 0 : i32
      %ne3A_536 = arith.cmpi ne, %rem3A_534, %ne3A_535 : i32
      %and3A_537 = arith.andi %ne3A_533, %ne3A_536 : i1
      %sub3A_538 = arith.constant 1 : i32
      %sub3A_539 = arith.subi %div3A_518, %sub3A_538 : i32
      %select_n3A_540 = arith.select %and3A_537, %sub3A_539, %div3A_518 : i32
      %jit3A_541 = arith.constant 2 : i32
      %eq3A_542 = arith.constant 0 : i32
      %eq3A_543 = arith.cmpi eq, %jit3A_541, %eq3A_542 : i32
      %jit3A_544 = arith.constant 1 : i32
      %select_n3A_545 = arith.select %eq3A_543, %jit3A_544, %jit3A_541 : i32
      %rem3A_546 = arith.remsi %select_n3A_540, %select_n3A_545 : i32
      %ne3A_547 = arith.constant 0 : i32
      %ne3A_548 = arith.cmpi ne, %rem3A_546, %ne3A_547 : i32
      %lt3A_549 = arith.constant 0 : i32
      %lt3A_550 = arith.cmpi slt, %rem3A_546, %lt3A_549 : i32
      %lt3A_551 = arith.constant 0 : i32
      %lt3A_552 = arith.cmpi slt, %select_n3A_545, %lt3A_551 : i32
      %ne3A_553 = arith.xori %lt3A_550, %lt3A_552 : i1
      %and3A_554 = arith.andi %ne3A_553, %ne3A_548 : i1
      %add3A_555 = arith.addi %rem3A_546, %select_n3A_545 : i32
      %select_n3A_556 = arith.select %and3A_554, %add3A_555, %rem3A_546 : i32
      %eq3A_557 = arith.constant 1 : i32
      %eq3A_558 = arith.cmpi eq, %select_n3A_556, %eq3A_557 : i32
      %and3A_559 = arith.andi %and3A_516, %eq3A_558 : i1
      %convert_element_type3A_560 = arith.extui %and3A_559 : i1 to i32
      %cond3A_561 = arith.constant 0 : i32
      %cond3A_562 = arith.cmpi ne, %convert_element_type3A_560, %cond3A_561 : i32
      scf.if %cond3A_562 {
        %jit3A_579 = arith.constant 16 : i32
        %div3A_580 = arith.divsi %add3A_343, %jit3A_579 : i32
        %sign3A_581 = arith.constant 0 : i32
        %sign3A_582 = arith.cmpi sgt, %add3A_343, %sign3A_581 : i32
        %sign3A_583 = arith.extui %sign3A_582 : i1 to i32
        %sign3A_584 = arith.constant 0 : i32
        %sign3A_585 = arith.cmpi slt, %add3A_343, %sign3A_584 : i32
        %sign3A_586 = arith.extui %sign3A_585 : i1 to i32
        %sign3A_587 = arith.subi %sign3A_583, %sign3A_586 : i32
        %sign3A_588 = arith.constant 0 : i32
        %sign3A_589 = arith.cmpi sgt, %jit3A_579, %sign3A_588 : i32
        %sign3A_590 = arith.extui %sign3A_589 : i1 to i32
        %sign3A_591 = arith.constant 0 : i32
        %sign3A_592 = arith.cmpi slt, %jit3A_579, %sign3A_591 : i32
        %sign3A_593 = arith.extui %sign3A_592 : i1 to i32
        %sign3A_594 = arith.subi %sign3A_590, %sign3A_593 : i32
        %ne3A_595 = arith.cmpi ne, %sign3A_587, %sign3A_594 : i32
        %rem3A_596 = arith.remsi %add3A_343, %jit3A_579 : i32
        %ne3A_597 = arith.constant 0 : i32
        %ne3A_598 = arith.cmpi ne, %rem3A_596, %ne3A_597 : i32
        %and3A_599 = arith.andi %ne3A_595, %ne3A_598 : i1
        %sub3A_600 = arith.constant 1 : i32
        %sub3A_601 = arith.subi %div3A_580, %sub3A_600 : i32
        %select_n3A_602 = arith.select %and3A_599, %sub3A_601, %div3A_580 : i32
        %add3A_603 = arith.constant 2 : i32
        %add3A_604 = arith.addi %select_n3A_602, %add3A_603 : i32
        %mul3A_605 = arith.constant 800 : i32
        %mul3A_606 = arith.muli %add3A, %mul3A_605 : i32
        %mul3A_607 = arith.constant 32 : i32
        %mul3A_608 = arith.muli %add3A_604, %mul3A_607 : i32
        %add3A_609 = arith.addi %mul3A_606, %mul3A_608 : i32
        %dma_start3A_610 = arith.constant 1 : i32
        %dma_start3A_611 = arith.constant 0 : i32
        %dma_start3A_612 = arith.constant 0 : i32
        %dma_start3A_613 = tpu.memref_slice %arg5[%dma_start3A_610, %dma_start3A_611, %dma_start3A_612] : memref<2x32x128xi32, #tpu.memory_space<vmem>> -> memref<1x32x128xi32, #tpu.memory_space<vmem>>
        %dma_start3A_614 = tpu.memref_squeeze %dma_start3A_613 : memref<1x32x128xi32, #tpu.memory_space<vmem>> -> memref<32x128xi32, #tpu.memory_space<vmem>>
        %dma_start3A_615 = arith.constant 0 : i32
        %dma_start3A_616 = tpu.memref_slice %arg2[%add3A_609, %dma_start3A_615] : memref<25600x128xi32, #tpu.memory_space<hbm>> -> memref<32x128xi32, #tpu.memory_space<hbm>>
        %dma_start3A_617 = arith.constant 0 : i32
        %dma_start3A_618 = arith.constant 0 : i32
        %dma_start3A_619 = tpu.memref_slice %arg5[%dma_start3A_610, %dma_start3A_617, %dma_start3A_618] : memref<2x32x128xi32, #tpu.memory_space<vmem>> -> memref<1x32x128xi32, #tpu.memory_space<vmem>>
        %dma_start3A_620 = tpu.memref_squeeze %dma_start3A_619 : memref<1x32x128xi32, #tpu.memory_space<vmem>> -> memref<32x128xi32, #tpu.memory_space<vmem>>
        %dma_start3A_621 = arith.constant 0 : i32
        %dma_start3A_622 = tpu.memref_slice %arg2[%add3A_609, %dma_start3A_621] : memref<25600x128xi32, #tpu.memory_space<hbm>> -> memref<32x128xi32, #tpu.memory_space<hbm>>
        tpu.enqueue_dma source(%dma_start3A_622 : memref<32x128xi32, #tpu.memory_space<hbm>>) target(%dma_start3A_620 : memref<32x128xi32, #tpu.memory_space<vmem>>) target_semaphore(%arg13 : memref<!tpu.dma_semaphore, #tpu.memory_space<semaphore_mem>>)
      } else {
      }
      %mul3A_563 = arith.constant 256 : i32
      %mul3A_564 = arith.muli %add3A_343, %mul3A_563 : i32
      %add3A_565 = arith.addi %mul3A_2, %mul3A_564 : i32
      %dma_start3A_566 = arith.constant 1 : i32
      %dma_start3A_567 = arith.constant 0 : i32
      %dma_start3A_568 = arith.constant 0 : i32
      %dma_start3A_569 = tpu.memref_slice %arg6[%dma_start3A_566, %dma_start3A_567, %dma_start3A_568] : memref<2x256x128xf32, #tpu.memory_space<vmem>> -> memref<1x256x128xf32, #tpu.memory_space<vmem>>
      %dma_start3A_570 = tpu.memref_squeeze %dma_start3A_569 : memref<1x256x128xf32, #tpu.memory_space<vmem>> -> memref<256x128xf32, #tpu.memory_space<vmem>>
      %dma_start3A_571 = arith.constant 0 : i32
      %dma_start3A_572 = tpu.memref_slice %arg4[%add3A_565, %dma_start3A_571] : memref<3276800x128xf32, #tpu.memory_space<hbm>> -> memref<256x128xf32, #tpu.memory_space<hbm>>
      %dma_start3A_573 = arith.constant 0 : i32
      %dma_start3A_574 = tpu.memref_slice %arg4[%add3A_565, %dma_start3A_573] : memref<3276800x128xf32, #tpu.memory_space<hbm>> -> memref<256x128xf32, #tpu.memory_space<hbm>>
      %dma_start3A_575 = arith.constant 0 : i32
      %dma_start3A_576 = arith.constant 0 : i32
      %dma_start3A_577 = tpu.memref_slice %arg6[%dma_start3A_566, %dma_start3A_575, %dma_start3A_576] : memref<2x256x128xf32, #tpu.memory_space<vmem>> -> memref<1x256x128xf32, #tpu.memory_space<vmem>>
      %dma_start3A_578 = tpu.memref_squeeze %dma_start3A_577 : memref<1x256x128xf32, #tpu.memory_space<vmem>> -> memref<256x128xf32, #tpu.memory_space<vmem>>
      tpu.enqueue_dma source(%dma_start3A_578 : memref<256x128xf32, #tpu.memory_space<vmem>>) target(%dma_start3A_574 : memref<256x128xf32, #tpu.memory_space<hbm>>) target_semaphore(%arg11 : memref<!tpu.dma_semaphore, #tpu.memory_space<semaphore_mem>>)
    }
    %scan3A_82 = arith.constant 200 : i32
    %dma_wait3A_83 = arith.constant 0 : i32
    %dma_wait3A_84 = arith.constant 0 : i32
    %dma_wait3A_85 = arith.constant 0 : i32
    %dma_wait3A_86 = tpu.memref_slice %arg6[%dma_wait3A_83, %dma_wait3A_84, %dma_wait3A_85] : memref<2x256x128xf32, #tpu.memory_space<vmem>> -> memref<1x256x128xf32, #tpu.memory_space<vmem>>
    %dma_wait3A_87 = tpu.memref_squeeze %dma_wait3A_86 : memref<1x256x128xf32, #tpu.memory_space<vmem>> -> memref<256x128xf32, #tpu.memory_space<vmem>>
    %dma_wait3A_88 = arith.constant 0 : i32
    %dma_wait3A_89 = tpu.memref_slice %arg4[%mul3A_2, %dma_wait3A_88] : memref<3276800x128xf32, #tpu.memory_space<hbm>> -> memref<256x128xf32, #tpu.memory_space<hbm>>
    %dma_wait3A_90 = arith.constant 0 : i32
    %dma_wait3A_91 = tpu.memref_slice %arg4[%mul3A_2, %dma_wait3A_90] : memref<3276800x128xf32, #tpu.memory_space<hbm>> -> memref<256x128xf32, #tpu.memory_space<hbm>>
    %dma_wait3A_92 = arith.constant 0 : i32
    %dma_wait3A_93 = arith.constant 0 : i32
    %dma_wait3A_94 = tpu.memref_slice %arg6[%dma_wait3A_83, %dma_wait3A_92, %dma_wait3A_93] : memref<2x256x128xf32, #tpu.memory_space<vmem>> -> memref<1x256x128xf32, #tpu.memory_space<vmem>>
    %dma_wait3A_95 = tpu.memref_squeeze %dma_wait3A_94 : memref<1x256x128xf32, #tpu.memory_space<vmem>> -> memref<256x128xf32, #tpu.memory_space<vmem>>
    tpu.wait_dma2 semaphore(%arg10 : memref<!tpu.dma_semaphore, #tpu.memory_space<semaphore_mem>>) src(%dma_wait3A_95 : memref<256x128xf32, #tpu.memory_space<vmem>>) dst(%dma_wait3A_91 : memref<256x128xf32, #tpu.memory_space<hbm>>)
    %dma_wait3A_96 = arith.constant 1 : i32
    %dma_wait3A_97 = arith.constant 0 : i32
    %dma_wait3A_98 = arith.constant 0 : i32
    %dma_wait3A_99 = tpu.memref_slice %arg6[%dma_wait3A_96, %dma_wait3A_97, %dma_wait3A_98] : memref<2x256x128xf32, #tpu.memory_space<vmem>> -> memref<1x256x128xf32, #tpu.memory_space<vmem>>
    %dma_wait3A_100 = tpu.memref_squeeze %dma_wait3A_99 : memref<1x256x128xf32, #tpu.memory_space<vmem>> -> memref<256x128xf32, #tpu.memory_space<vmem>>
    %dma_wait3A_101 = arith.constant 0 : i32
    %dma_wait3A_102 = tpu.memref_slice %arg4[%mul3A_2, %dma_wait3A_101] : memref<3276800x128xf32, #tpu.memory_space<hbm>> -> memref<256x128xf32, #tpu.memory_space<hbm>>
    %dma_wait3A_103 = arith.constant 0 : i32
    %dma_wait3A_104 = tpu.memref_slice %arg4[%mul3A_2, %dma_wait3A_103] : memref<3276800x128xf32, #tpu.memory_space<hbm>> -> memref<256x128xf32, #tpu.memory_space<hbm>>
    %dma_wait3A_105 = arith.constant 0 : i32
    %dma_wait3A_106 = arith.constant 0 : i32
    %dma_wait3A_107 = tpu.memref_slice %arg6[%dma_wait3A_96, %dma_wait3A_105, %dma_wait3A_106] : memref<2x256x128xf32, #tpu.memory_space<vmem>> -> memref<1x256x128xf32, #tpu.memory_space<vmem>>
    %dma_wait3A_108 = tpu.memref_squeeze %dma_wait3A_107 : memref<1x256x128xf32, #tpu.memory_space<vmem>> -> memref<256x128xf32, #tpu.memory_space<vmem>>
    tpu.wait_dma2 semaphore(%arg11 : memref<!tpu.dma_semaphore, #tpu.memory_space<semaphore_mem>>) src(%dma_wait3A_108 : memref<256x128xf32, #tpu.memory_space<vmem>>) dst(%dma_wait3A_104 : memref<256x128xf32, #tpu.memory_space<hbm>>)
    return
  }
}

</mosaic_0001>

<sc_bundles>
// kernel: kernel.3.cloned.1.call-start
scs
__scs_entry_jumppad:
0x0: {  	(pc) =	sbr.rel $0x88, $3  }
0x1: {  	(tag) =	ssettag $0x0;
	lr =	simm.s32 $0x1  }
0x2: {  	[smem:$0x3F9F] =	sst lr;
	_ =	strace $0xD0000000  }
0x3: {  	_ = 	snop  }
0x4: {  	_ = 	snop  }
0x5: {  	_ = 	snop  }
0x6: {  	_ = 	snop  }
0x7: {  	_ = 	snop  }
__scs_overlays_trampoline_lowered:
0x8: {  	[smem:$0x3FAE] =	sst s0  }
0x9: {  	[smem:$0x3FAF] =	sst s1  }
0xa: {  	[smem:$0x3FB0] =	sst s2  }
0xb: {  	[smem:$0x3FB1] =	sst s3  }
0xc: {  	[smem:$0x3FB2] =	sst s4  }
0xd: {  	[smem:$0x3FB3] =	sst s5  }
0xe: {  	[smem:$0x3FB4] =	sst s6  }
0xf: {  	[smem:$0x3FB5] =	sst s7  }
0x10: {  	[smem:$0x3FB6] =	sst s8  }
0x11: {  	[smem:$0x3FB7] =	sst s9;
	s0 =	simm.s32 @!p0 $0x0  }
0x12: {  	s1 =	sld [smem:$0x3F9D];
	s0 =	simm.s32 @p0 $0x1  }
0x13: {  	[smem:$0x3FB8] =	sst s0;
	s0 =	simm.s32 @!p1 $0x0  }
0x14: {  	s2 =	sld [smem:$0x3F9C];
	s0 =	simm.s32 @p1 $0x1  }
0x15: {  	[smem:$0x3FB9] =	sst s0;
	s0 =	simm.s32 @!p2 $0x0  }
0x16: {  	s3 =	sld [smem:$0x3FDB];
	s0 =	simm.s32 @p2 $0x1  }
0x17: {  	s4 =	simm.s32 $0x1BF5;
	[smem:$0x3FBB] =	sst s0  }
0x18: {  	s0 =	sld [smem:$0x3F9E];
	_ =	swait.ge [sflag:s4], $0x0  }
0x19: {  	s7 =	sld [smem:$0x3F9F]  }
0x1a: {  	s8 =	sadd.s32 $0xFFFFE003, lr  }
0x1b: {  	s9 =	sadd.s32 $0xFFFFFEF7, lr;
	s5 =	simm.s32 $0xFFFFFFFF;
	p2 =	slt.u32 s8, $0xFFFFF086  }
0x1c: {  	p1 =	slt.u32 s9, $0xF7A;
	s5 =	simm.s32 @!p2 $0x0  }
0x1d: {  	s5 =	simm.s32 @p1 $0x1;
	p0 =	seq.s32 s7, s2  }
0x1e: {  	s7 =	smul.u32 @!p0 $0xF7A, s2;
	p2 =	seq.s32 @!p0 s5, $0x0  }
0x1f: {  	s9 =	smul.u32 $0xF7A, s1;
	s8 =	simm.s32 @!p0 $0x1BF5;
	p2 =	por !p2, p0  }
0x20: {  	[sflag:s8] =	ssyncset.s32 @!p0 $0xFFFFF086;
	s6 =	sadd.s32 @!p0 s3, s7;
	s7 =	simm.s32 @!p0 $0x108  }
0x21: {  	s3 =	sadd.s32 s3, s9;
	s6 =	sadd.s32 @!p0 $0x88, s6;
	s7 =	simm.s32 @p2 $0x1082  }
0x22: {  	[simem:s7], [sflag:s8] =	dma.local @!p0 [hbm:s6], $0xF7A  }
0x23: {  	s9 =	sor.u32 $0xD0000000, s2;
	s6 =	simm.s32 $0x108;
	_ =	swait.ge @!p0 [sflag:s8], $0x0  }
0x24: {  	s3 =	sadd.s32 $0x88, s3;
	s6 =	simm.s32 @!p1 $0x1082;
	[sflag:s4] =	ssyncset.s32 $0xFFFFF086  }
0x25: {  	[simem:s6], [sflag:s4] =	dma.local [hbm:s3], $0xF7A  }
0x26: {  	[smem:$0x3F9F] =	sst s1;
	(tag) =	ssettag s2;
	_ =	strace s9  }
0x27: {  	s1 =	sld [smem:$0x3FAF]  }
0x28: {  	s2 =	sld [smem:$0x3FB0]  }
0x29: {  	s4 =	sld [smem:$0x3FB2]  }
0x2a: {  	p0 =	seq.s32 s5, $0x0;
	s5 =	sld [smem:$0x3FB3]  }
0x2b: {  	s6 =	sld [smem:$0x3FB4]  }
0x2c: {  	s7 =	sld [smem:$0x3FB5]  }
0x2d: {  	s3 =	simm.s32 $0x108;
	s8 =	sld [smem:$0x3FB6]  }
0x2e: {  	s3 =	simm.s32 @!p0 $0x1082;
	s9 =	sld [smem:$0x3FB7]  }
0x2f: {  	lr =	sadd.s32 s0, s3;
	s0 =	sld [smem:$0x3FAE]  }
0x30: {  	s3 =	sld [smem:$0x3FB1]  }
0x31: {  	[smem:$0x3FBA] =	sst s10  }
0x32: {  	s10 =	sld [smem:$0x3FB8];
	_ =	sdelay $0x3  }
0x33: {  	p0 =	seq.s32 s10, $0x1;
	s10 =	sld [smem:$0x3FBA];
	_ =	sdelay $0x3  }
0x34: {  	[smem:$0x3FBA] =	sst s10  }
0x35: {  	s10 =	sld [smem:$0x3FB9];
	_ =	sdelay $0x3  }
0x36: {  	p1 =	seq.s32 s10, $0x1;
	s10 =	sld [smem:$0x3FBA];
	_ =	sdelay $0x3  }
0x37: {  	[smem:$0x3FBA] =	sst s10  }
0x38: {  	s10 =	sld [smem:$0x3FBB]  }
0x39: {  	_ = 	snop;
	(pc) =	sbr.ind lr, $3  }
0x3a: {  	_ = 	snop  }
0x3b: {  	_ = 	snop  }
0x3c: {  	p2 =	seq.s32 s10, $0x1;
	s10 =	sld [smem:$0x3FBA]  }
0x3d: {  	_ =	shalt  }
0x3e: {  	_ =	shalt  }
0x3f: {  	_ =	shalt  }
0x40: {  	_ =	shalt  }
0x41: {  	_ =	shalt  }
0x42: {  	_ =	shalt  }
0x43: {  	_ =	shalt  }
0x44: {  	_ =	shalt  }
0x45: {  	_ =	shalt  }
0x46: {  	_ =	shalt  }
0x47: {  	_ =	shalt  }
0x48: {  	_ =	shalt  }
0x49: {  	_ =	shalt  }
0x4a: {  	_ =	shalt  }
0x4b: {  	_ =	shalt  }
0x4c: {  	_ =	shalt  }
0x4d: {  	_ =	shalt  }
0x4e: {  	_ =	shalt  }
0x4f: {  	_ =	shalt  }
0x50: {  	_ =	shalt  }
0x51: {  	_ =	shalt  }
0x52: {  	_ =	shalt  }
0x53: {  	_ =	shalt  }
0x54: {  	_ =	shalt  }
0x55: {  	_ =	shalt  }
0x56: {  	_ =	shalt  }
0x57: {  	_ =	shalt  }
0x58: {  	_ =	shalt  }
0x59: {  	_ =	shalt  }
0x5a: {  	_ =	shalt  }
0x5b: {  	_ =	shalt  }
0x5c: {  	_ =	shalt  }
0x5d: {  	_ =	shalt  }
0x5e: {  	_ =	shalt  }
0x5f: {  	_ =	shalt  }
0x60: {  	_ =	shalt  }
0x61: {  	_ =	shalt  }
0x62: {  	_ =	shalt  }
0x63: {  	_ =	shalt  }
0x64: {  	_ =	shalt  }
0x65: {  	_ =	shalt  }
0x66: {  	_ =	shalt  }
0x67: {  	_ =	shalt  }
0x68: {  	_ =	shalt  }
0x69: {  	_ =	shalt  }
0x6a: {  	_ =	shalt  }
0x6b: {  	_ =	shalt  }
0x6c: {  	_ =	shalt  }
0x6d: {  	_ =	shalt  }
0x6e: {  	_ =	shalt  }
0x6f: {  	_ =	shalt  }
0x70: {  	_ =	shalt  }
0x71: {  	_ =	shalt  }
0x72: {  	_ =	shalt  }
0x73: {  	_ =	shalt  }
0x74: {  	_ =	shalt  }
0x75: {  	_ =	shalt  }
0x76: {  	_ =	shalt  }
0x77: {  	_ =	shalt  }
0x78: {  	_ =	shalt  }
0x79: {  	_ =	shalt  }
0x7a: {  	_ =	shalt  }
0x7b: {  	_ =	shalt  }
0x7c: {  	_ =	shalt  }
0x7d: {  	_ =	shalt  }
0x7e: {  	_ =	shalt  }
0x7f: {  	_ =	shalt  }
0x80: {  	_ =	shalt  }
0x81: {  	_ =	shalt  }
0x82: {  	_ =	shalt  }
0x83: {  	_ =	shalt  }
0x84: {  	_ =	shalt  }
0x85: {  	_ =	shalt  }
0x86: {  	_ =	shalt  }
0x87: {  	_ =	shalt  }
.Lfunc_end0:
.L_simem_size_0:
called_computation_lowered:
.L_overlay_start_0:
0x88: {  	s2 =	sld [smem:$0x3FD9]  }
0x89: {  	s3 =	sld [smem:$0x3FFE];
	_ =	sdelay $0x1  }
0x8a: {  	s1 =	srdreg.scid  }
0x8b: {  	s0 =	sand.u32 $0x1, s1  }
0x8c: {  	s17 =	sshll.u32 s0, $0xA;
	s2 =	sadd.s32 s3, s2  }
0x8d: {  	s2 =	sadd.s32 s2, s17  }
0x8e: {  	[smem:$0x3FC6] =	sst s2  }
0x8f: {  	_ = 	snop  }
0x90: {  	s2 =	sld [smem:$0x3FC8]  }
0x91: {  	s18 =	sld [smem:$0x3FD0];
	(tm) =	ssettm $0x1  }
0x92: {  	s4 =	sld [smem:$0x3FFB];
	_ =	sdelay $0x3  }
0x93: {  	_ =	strace s4  }
0x94: {  	s4 =	sld [smem:$0x3FFC];
	_ =	sdelay $0x3  }
0x95: {  	_ =	strace s4  }
0x96: {  	s4 =	sld [smem:$0x3FFD];
	_ =	sdelay $0x3  }
0x97: {  	_ =	strace s4  }
0x98: {  	_ =	strace $0x8FFFFFFF  }
0x99: {  	s19 =	sld [smem:$0x3FDB];
	_ =	sdelay $0x1  }
0x9a: {  	s5 =	simm.s32 $_scs_section_size  }
0x9b: {  	s6 =	simm.s32 $_size__tile_overlayer_lowered;
	s7 =	simm.s32 $_tile_overlayer_lowered  }
0x9c: {  	s22 =	simm.s32 $0x1BFF;
	s21 =	sshll.u32 s7, $0x1;
	s4 =	sadd.s32 s5, s19  }
0x9d: {  	s8 =	simm.s32 $0x0;
	s20 =	sshll.u32 s6, $0x1;
	s6 =	sadd.s32 s21, s4  }
0x9e: {  	[timem:s8], [sflag:s22] =	dma.local [hbm:s6], s20  }
0x9f: {  	_ =	swait.ge [sflag:s22], s20  }
0xa0: {  	s5 =	ssub.s32 $0x0, s20;
	[sflag:s22] =	ssyncset.done $0x0  }
0xa1: {  	[sflag:s22] =	ssyncadd.s32 s5;
	_ =	sdelay $0x1  }
0xa2: {  	s23 =	simm.s32 $0x1B8B  }
0xa3: {  	_ =	swait.ge [sflag:s23], $0x1  }
0xa4: {  	[sflag:s23] =	ssyncset.done $0x0  }
0xa5: {  	s25 =	simm.s32 $0x1B8E;
	s24 =	sld [smem:$0x3FFE];
	[sflag:s23] =	ssyncadd.s32 $0xFFFFFFFF  }
0xa6: {  	s26 =	simm.s32 $execute0_lowered;
	[smem:$0x3FD2] =	sst s25  }
0xa7: {  	s6 =	sshll.u32 s26, $0x1;
	_ =	strace $0x80000046;
	[dreg:$0x1] =	wrdreg $0xFFFFFFFF  }
0xa8: {  	s28 =	simm.s32 $_size_execute0_lowered;
	s4 =	sadd.s32 s4, s6;
	[dreg:$0x0] =	wrdreg $0x0  }
0xa9: {  	s6 =	sshll.u32 s28, $0x1;
	[dreg:$0x2] =	wrdreg s4  }
0xaa: {  	[dreg:$0x3] =	wrdreg s6  }
0xab: {  	[dreg:$0x4] =	wrdreg $0xC0  }
0xac: {  	_ =	task [dreg:s8], $0x5FFFF  }
0xad: {  	[dreg:$0x1] =	wrdreg $0xFFFFFFFF  }
0xae: {  	[dreg:$0x0] =	wrdreg $0x60  }
0xaf: {  	[dreg:$0x2] =	wrdreg s24  }
0xb0: {  	[dreg:$0x3] =	wrdreg s2  }
0xb1: {  	[dreg:$0x4] =	wrdreg s18  }
0xb2: {  	[dreg:$0x5] =	wrdreg $0x120000  }
0xb3: {  	[dreg:$0x6] =	wrdreg $0x9  }
0xb4: {  	_ =	task.clear_ibuf [dreg:s8], $0x7FFFF;
	_ =	strace $0x90000046  }
0xb5: {  	s29 =	simm.s32 $0x9;
	_ =	strace $0x80000048  }
0xb6: {  	_ =	swait.ge [sflag:s29], $0x1  }
0xb7: {  	[sflag:s29] =	ssyncadd.s32 $0xFFFFFFFF  }
0xb8: {  	_ =	strace $0x90000048  }
0xb9: {  	_ =	sfence  }
0xba: {  	s30 =	sld [smem:$0x0];
	_ =	sdelay $0x2  }
0xbb: {  	s31 =	sshll.u32 s1, $0xD;
	s1 =	sshrl.u32 s1, $0x2  }
0xbc: {  	s3 =	sand.u32 $0x4000, s31;
	s1 =	sadd.s32 s1, s30  }
0xbd: {  	s0 =	sor.u32 s3, s0;
	s1 =	sshll.u32 s1, $0x11  }
0xbe: {  	s0 =	sor.u32 s1, s0  }
0xbf: {  	s0 =	sadd.s32 $0x8F2B, s0  }
0xc0: {  	[sflag:s0] =	ssyncadd.remote.s32 $0x1  }
0xc1: {  	_ =	sfence.sel $0xFFFF  }
0xc2: {  	[dreg:$0x0] =	wrdreg $0xFFFFFFFF;
	(pc) =	sbr.abs _section_cstart, $3  }
0xc3: {  	[dreg:$0x1] =	wrdreg $0xFFFFFFFF  }
0xc4: {  	_ =	task.clear_ibuf [dreg:s8], $0x2FFFF;
	_ =	strace $0x9FFFFFFF  }
0xc5: {  	(tm) =	ssettm $0x7FFFFFFF  }
tec
execute0_lowered:
.L_overlay_start_1:
0x0: {  	(tag) =	ssettag $0x1  }
0x1: {  	s5 =	rddreg [dreg:$0x0]  }
0x2: {  	s1 =	srdreg.scid;
	s10 =	rddreg [dreg:$0x2]  }
0x3: {  	s9 =	stileid.u32;
	s2 =	rddreg [dreg:$0x3]  }
0x4: {  	s3 =	simm.s32 $0x0;
	s14 =	simm.s32 $0x80;
	s15 =	simm.s32 $0x2000  }
0x5: {  	s16 =	simm.s32 $0x6000;
	s17 =	simm.s32 $0xA000;
	s18 =	simm.s32 $0xE000  }
0x6: {  	s19 =	simm.s32 $0x1;
	s20 =	simm.s32 $0x2;
	s21 =	simm.s32 $0x3  }
0x7: {  	s22 =	simm.s32 $0x4;
	s23 =	simm.s32 $0x0;
	s6 =	sand.u32 $0x1, s1  }
0x8: {  	s28 =	sshll.u32 s9, $0x1;
	[smem:$0x7FF] =	sst s3;
	s11 =	smul.u32 $0x1900000, s9  }
0x9: {  	s5 =	sadd.s32 $0x400, s5;
	s4 =	sor.u32 s6, s28;
	s13 =	smul.u32 $0xC80000, s6  }
0xa: {  	p0 =	sne.s32 s9, $0x0;
	s8 =	ssub.s32 $0x2, s6;
	s7 =	smul.u32 $0x3200, s4  }
0xb: {  	_ =	strace $0x80000047;
	s4 =	smul.u32 $0x19000, s4;
	s12 =	sshrl.u32 s8, $0x1  }
.Ltmp0:
0xc: {  	s8 =	ssub.s32 s8, s12;
	s11 =	sadd.s32 s13, s11;
	(pc) =	sbr.rel .LBB2_1-.Ltmp0, $4  }
0xd: {  	s13 =	simm.s32 $0x5;
	s29 =	sshrl.u32 s4, $0x3;
	s6 =	sadd.s32 s5, s7  }
0xe: {  	s8 =	smax.u32 s8, $0x1;
	s31 =	sor.u32 $0x8000, s11;
	s11 =	sshrl.u32 s11, $0x3  }
0xf: {  	s30 =	sadd.s32 s5, s29;
	s12 =	sshrl.u32 s31, $0x3;
	s9 =	sadd.s32 s11, s10  }
0x10: {  	s11 =	sshrl.u32 @!p0 s2, $0x3;
	s7 =	sadd.s32 $0x200, s30;
	s10 =	sadd.s32 s12, s10  }
.LBB2_10:
0x11: {  	s23 =	sadd.s32 $0x1, s23  }
0x12: {  	_ =	swait.ge [sflag:s21], $0x8000;
	p1 =	sne.s32 s23, s8  }
.Ltmp1:
0x13: {  	[sflag:s21] =	ssyncset.done $0x0;
	(pc) =	sbr.rel @!p1 .LBB2_11-.Ltmp1, $4  }
0x14: {  	[sflag:s21] =	ssyncadd.s32 $0xFFFF8000  }
0x15: {  	_ =	swait.ge [sflag:s22], $0x8000  }
0x16: {  	[sflag:s22] =	ssyncset.done $0x0  }
0x17: {  	[sflag:s22] =	ssyncadd.s32 $0xFFFF8000  }
.LBB2_1:
0x18: {  	s24 =	simm.s32 @!p0 $0x1C07;
	s0 =	rddreg [dreg:$0x1]  }
0x19: {  	[spmem:s11], [sflag:s24] =	dma.local @!p0 [hbm:s0], $0x7A0  }
0x1a: {  	s24 =	simm.s32 @!p0 $0x7  }
0x1b: {  	_ =	swait.ge @!p0 [sflag:s24], $0x7A0  }
0x1c: {  	[sflag:s24] =	ssyncset.done @!p0 $0x0  }
0x1d: {  	[sflag:s24] =	ssyncadd.s32 @!p0 $0xFFFFF860  }
0x1e: {  	[bflag:$0x0] =	sbarrier.arrive $0xFFFF  }
0x1f: {  	[tilespmem:s3], [sflag:$0x5] =	stream.linear.gather [hbm4b:s6+s3], $0x1000, $0x38;
	[tilespmem:$0x123D0] =	vst v63  }
0x20: {  	s31 =	simm.s32 $0x1000  }
0x21: {  	[tilespmem:s31], [sflag:$0x6] =	stream.linear.gather [hbm4b:s7+s3], $0x1000, $0x38;
	[tilespmem:$0x123D0] =	vst v63  }
0x22: {  	_ =	swait.ge [sflag:s13], $0x1000  }
.Ltmp2:
0x23: {  	s25 =	simm.s32 $0x200;
	[sflag:s13] =	ssyncset.done $0x0;
	(pc) =	sbr.rel .LBB2_2-.Ltmp2, $4  }
0x24: {  	s26 =	simm.s32 $0x2;
	s28 =	smov.u32 s10;
	[sflag:s13] =	ssyncadd.s32 $0xFFFFF000  }
0x25: {  	[tilespmem:s15], [sflag:$0x1] =	stream.indirect.gather [spmem:s2], $0x80, s3, s14, $0xb8;
	[tilespmem:$0x123D0] =	vst v63  }
0x26: {  	s29 =	smov.u32 s9;
	s30 =	simm.s32 $0x0;
	s24 =	simm.s32 $0x800  }
0x27: {  	[tilespmem:s16], [sflag:$0x1] =	stream.indirect.gather [spmem:s2], $0x80, s14, s14, $0xb8;
	[tilespmem:$0x123D0] =	vst v63  }
.LBB2_4:
0x28: {  	s31 =	simm.s32 $0x5  }
.LBB2_7:
0x29: {  	_ =	swait.ge [sflag:s31], $0x1000  }
0x2a: {  	[sflag:s31] =	ssyncset.done $0x0  }
0x2b: {  	[sflag:s31] =	ssyncadd.s32 $0xFFFFF000  }
.LBB2_8:
0x2c: {  	_ =	swait.ge [sflag:s21], $0x8000;
	s0 =	sand.u32 $0x3800, s24  }
0x2d: {  	s1 =	sand.u32 $0x1000, s25;
	[sflag:s21] =	ssyncset.done $0x0;
	s0 =	sshrl.u32 s0, $0x2  }
0x2e: {  	[sflag:s21] =	ssyncadd.s32 $0xFFFF8000;
	s0 =	sor.u32 s0, s1  }
0x2f: {  	[tilespmem:s15], [sflag:$0x1] =	stream.indirect.gather [spmem:s2], $0x80, s0, s14, $0xb8;
	[tilespmem:$0x123D0] =	vst v63  }
0x30: {  	s0 =	sor.u32 $0x80, s0  }
0x31: {  	[tilespmem:s16], [sflag:$0x1] =	stream.indirect.gather [spmem:s2], $0x80, s0, s14, $0xb8;
	[tilespmem:$0x123D0] =	vst v63  }
.LBB2_9:
0x32: {  	s0 =	sadd.s32 $0xFFFFFFFF, s26;
	p2 =	slt.u32 s30, $0xB8;
	_ =	swait.ge [sflag:s20], $0x4000  }
0x33: {  	s31 =	sand.u32 $0x8, s30;
	s1 =	sshrl.u32 s30, $0x3;
	s0 =	sand.u32 $0xF, s0  }
0x34: {  	s24 =	sadd.s32 $0x800, s24;
	p5 =	sne.s32 s31, $0x0;
	p1 =	seq.s32 s0, $0xF  }
0x35: {  	s0 =	sadd.s32 $0x2, s1;
	s1 =	sand.u32 $0x1, s1;
	p1 =	por !p2, !p1  }
0x36: {  	[sflag:s20] =	ssyncset.done $0x0;
	p6 =	seq.s32 s1, $0x1;
	p1 =	por !p1, !p1  }
0x37: {  	[sflag:s20] =	ssyncadd.s32 $0xFFFFC000;
	p2 =	por !p1, p5;
	p1 =	por !p1, !p6  }
0x38: {  	_ =	swait.ge [sflag:s20], $0x4000;
	s31 =	sshll.u32 @!p2 s0, $0xC;
	p1 =	por !p1, !p1  }
0x39: {  	[sflag:s20] =	ssyncset.done $0x0;
	s31 =	sadd.s32 @!p2 s4, s31;
	s0 =	sshll.u32 @p1 s0, $0xC  }
0x3a: {  	[sflag:s20] =	ssyncadd.s32 $0xFFFFC000;
	s31 =	sshrl.u32 @!p2 s31, $0x3;
	s0 =	sadd.s32 @p1 s4, s0  }
0x3b: {  	s12 =	simm.s32 @!p2 $0x0;
	s31 =	sadd.s32 @!p2 s5, s31;
	s0 =	sshrl.u32 @p1 s0, $0x3  }
0x3c: {  	[tilespmem:s12], [sflag:$0x5] =	stream.linear.gather @!p2 [hbm4b:s31+s12], $0x1000, $0x38;
	[tilespmem:$0x123D0] =	vst v63  }
0x3d: {  	s1 =	simm.s32 @p1 $0x0;
	s0 =	sadd.s32 @p1 s5, s0;
	s12 =	simm.s32 @p1 $0x1000  }
0x3e: {  	[tilespmem:s12], [sflag:$0x6] =	stream.linear.gather @p1 [hbm4b:s0+s1], $0x1000, $0x38;
	[tilespmem:$0x123D0] =	vst v63  }
0x3f: {  	p1 =	sne.s32 s24, $0x64800  }
.Ltmp3:
0x40: {  	_ = 	snop;
	(pc) =	sbr.rel @!p1 .LBB2_10-.Ltmp3, $4  }
0x41: {  	_ = 	snop  }
0x42: {  	s30 =	sadd.s32 $0x1, s30;
	s29 =	sadd.s32 $0x2000, s29  }
0x43: {  	[hbm4b:s28+s3] =	stream.linear.scatter [tilespmem:s17], [sflag:$0x4], $0x8000, $0x38;
	[tilespmem:$0x123D0] =	vst v63  }
0x44: {  	s26 =	sadd.s32 $0x2, s26;
	s25 =	sadd.s32 $0x200, s25;
	s28 =	sadd.s32 $0x2000, s28  }
.LBB2_2:
0x45: {  	p1 =	seq.s32 s24, $0x800  }
0x46: {  	s1 =	sadd.s32 $0xFFFFFC00, s24;
	s31 =	simm.s32 @!p1 $0x4  }
0x47: {  	s0 =	sadd.s32 $0xFFFFFE00, s25;
	s1 =	sand.u32 $0x3C00, s1;
	_ =	swait.ge @!p1 [sflag:s31], $0x8000  }
0x48: {  	s0 =	sand.u32 $0x1000, s0;
	s1 =	sshrl.u32 s1, $0x2;
	[sflag:s31] =	ssyncset.done @!p1 $0x0  }
0x49: {  	s0 =	sor.u32 s1, s0;
	[sflag:s31] =	ssyncadd.s32 @!p1 $0xFFFF8000  }
0x4a: {  	[tilespmem:s17], [sflag:$0x2] =	stream.indirect.gather [spmem:s2], $0x80, s0, s14, $0xb8;
	[tilespmem:$0x123D0] =	vst v63  }
0x4b: {  	s0 =	sor.u32 $0x80, s0  }
0x4c: {  	[tilespmem:s18], [sflag:$0x2] =	stream.indirect.gather [spmem:s2], $0x80, s0, s14, $0xb8;
	[tilespmem:$0x123D0] =	vst v63  }
0x4d: {  	_ =	swait.ge [sflag:s19], $0x4000  }
0x4e: {  	p1 =	seq.s32 s24, $0x64000;
	[sflag:s19] =	ssyncset.done $0x0  }
.Ltmp4:
0x4f: {  	[sflag:s19] =	ssyncadd.s32 $0xFFFFC000;
	(pc) =	sbr.rel @p1 .LBB2_9-.Ltmp4, $4  }
0x50: {  	_ =	swait.ge [sflag:s19], $0x4000  }
0x51: {  	[sflag:s19] =	ssyncset.done $0x0  }
0x52: {  	[sflag:s19] =	ssyncadd.s32 $0xFFFFC000  }
0x53: {  	[hbm4b:s29+s3] =	stream.linear.scatter [tilespmem:s15], [sflag:$0x3], $0x8000, $0x38;
	[tilespmem:$0x123D0] =	vst v63  }
0x54: {  	s31 =	sand.u32 $0x1E, s26  }
0x55: {  	p1 =	seq.s32 s31, $0x0  }
.Ltmp5:
0x56: {  	_ = 	snop;
	(pc) =	sbr.rel @p1 .LBB2_4-.Ltmp5, $1  }
0x57: {  	_ =	sdelay $0x3  }
0x58: {  	p1 =	sne.s32 s31, $0x10  }
.Ltmp6:
0x59: {  	_ = 	snop;
	(pc) =	sbr.rel @p1 .LBB2_8-.Ltmp6, $1  }
0x5a: {  	_ =	sdelay $0x3  }
.Ltmp7:
0x5b: {  	(pc) =	sbr.rel .LBB2_7-.Ltmp7, $2  }
0x5c: {  	_ =	sdelay $0x2  }
0x5d: {  	s31 =	simm.s32 $0x6  }
.LBB2_11:
0x5e: {  	_ =	sfence.sel $0x180000  }
0x5f: {  	[bflag:$0x0] =	sbarrier.arrive $0xFFFF  }
0x60: {  	_ =	strace $0x90000047  }
0x61: {  	[bflag:$0x2] =	sbarrier.arrive $0xFFFF  }
0x62: {  	s0 =	rddreg [dreg:$0x4]  }
0x63: {  	s0 =	sadd.s32 @!p0 $0x100000, s0  }
0x64: {  	[sflag:s0] =	ssyncadd.tile.s32 @!p0 $0x1;
	_ =	shalt  }
.Lfunc_end2:
_tile_overlayer_lowered:
.L_overlay_start_2:
0x65: {  	(tag) =	ssettag $0x2  }
0x66: {  	s0 =	rddreg [dreg:$0x0];
	s2 =	stileid.u32  }
0x67: {  	s1 =	rddreg [dreg:$0x1];
	p0 =	sne.s32 s2, $0x0  }
0x68: {  	s3 =	rddreg [dreg:$0x2];
	[bflag:$0x3] =	sbarrier.arrive $0xFFFF;
	s2 =	simm.s32 @!p0 $0x1C07  }
0x69: {  	[timem:s3], [sflag:s2] =	dma.local @!p0 [hbm:s0], s1  }
0x6a: {  	s0 =	simm.s32 @!p0 $0x7  }
0x6b: {  	_ =	swait.ge @!p0 [sflag:s0], s1  }
0x6c: {  	s1 =	ssub.s32 @!p0 $0x0, s1;
	[sflag:s0] =	ssyncset.done @!p0 $0x0  }
0x6d: {  	[sflag:s0] =	ssyncadd.s32 @!p0 s1  }
0x6e: {  	[bflag:$0x3] =	sbarrier.arrive $0xFFFF  }
0x6f: {  	_ =	shalt  }

</sc_bundles>
